<compile_context>
chip_gen: v7x
topology: tpu7x:2x2x1
jax: 0.10.2.dev20260603
libtpu: 0.0.44.dev20260713+nightly
codegen_flags: <defaults>
</compile_context>

<pallas_src>
import functools

import jax
import jax.numpy as jnp
from jax import lax
from jax.experimental import pallas as pl
from jax.experimental.pallas import tpu as pltpu
from jax.experimental.pallas import tpu_sc as plsc

D = 128
K = 8192
L = 20
B = 1024
N = B * L

NC = 2
NS = 16
NW = NC * NS
ROWS_PER_W = N // NW
IDX_CHUNK = 128
N_CHUNKS = ROWS_PER_W // IDX_CHUNK
OUT_PER_W = B // NW

_sc_mesh = plsc.VectorSubcoreMesh(core_axis_name="c", subcore_axis_name="s")


@functools.partial(
    pl.kernel,
    mesh=_sc_mesh,
    out_type=jax.ShapeDtypeStruct((N, D), jnp.float32),
    scratch_types=[
        pltpu.VMEM((ROWS_PER_W,), jnp.int32),
        pltpu.VMEM((ROWS_PER_W, D), jnp.float32),
        pltpu.SemaphoreType.DMA,
    ],
)
def _sc_gather_rows(table_hbm, idx_hbm, out_hbm, idx_v, rows_v, sem):
    wid = lax.axis_index("s") * NC + lax.axis_index("c")
    pltpu.sync_copy(idx_hbm.at[pl.ds(wid * ROWS_PER_W, ROWS_PER_W)], idx_v)
    cps = [
        pltpu.async_copy(
            table_hbm.at[idx_v.at[pl.ds(c * IDX_CHUNK, IDX_CHUNK)]],
            rows_v.at[pl.ds(c * IDX_CHUNK, IDX_CHUNK)],
            sem,
        )
        for c in range(N_CHUNKS)
    ]
    for cp in cps:
        cp.wait()
    pltpu.sync_copy(rows_v, out_hbm.at[pl.ds(wid * ROWS_PER_W, ROWS_PER_W)])


@functools.partial(
    pl.kernel,
    mesh=_sc_mesh,
    out_type=jax.ShapeDtypeStruct((B, D), jnp.float32),
    scratch_types=[
        pltpu.VMEM((ROWS_PER_W,), jnp.int32),
        pltpu.VMEM((ROWS_PER_W, D), jnp.float32),
        pltpu.VMEM((OUT_PER_W, D), jnp.float32),
        pltpu.SemaphoreType.DMA,
    ],
)
def _sc_quantize_sum(cb_hbm, idx_hbm, out_hbm, idx_v, rows_v, out_v, sem):
    wid = lax.axis_index("s") * NC + lax.axis_index("c")
    pltpu.sync_copy(idx_hbm.at[pl.ds(wid * ROWS_PER_W, ROWS_PER_W)], idx_v)
    cps = [
        pltpu.async_copy(
            cb_hbm.at[idx_v.at[pl.ds(c * IDX_CHUNK, IDX_CHUNK)]],
            rows_v.at[pl.ds(c * IDX_CHUNK, IDX_CHUNK)],
            sem,
        )
        for c in range(N_CHUNKS)
    ]
    for cp in cps:
        cp.wait()

    def body(b, carry):
        t0 = b * L
        accs = [jnp.zeros((16,), jnp.float32) for _ in range(D // 16)]
        for l in range(L):
            for c in range(D // 16):
                accs[c] = accs[c] + rows_v[t0 + l, pl.ds(c * 16, 16)]
        for c in range(D // 16):
            out_v[b, pl.ds(c * 16, 16)] = accs[c]
        return carry

    lax.fori_loop(0, OUT_PER_W, body, 0)
    pltpu.sync_copy(out_v, out_hbm.at[pl.ds(wid * OUT_PER_W, OUT_PER_W)])


def _tc_finalize(sums_ref, mask_ref, out_ref):
    cnt = jnp.sum((mask_ref[...] >= 1).astype(jnp.float32), axis=1,
                  keepdims=True)
    out_ref[...] = sums_ref[...] / cnt


_tc_finalize_call = pl.pallas_call(
    _tc_finalize,
    in_specs=[
        pl.BlockSpec((B, D), lambda: (0, 0)),
        pl.BlockSpec((B, L), lambda: (0, 0)),
    ],
    out_specs=pl.BlockSpec((B, D), lambda: (0, 0)),
    out_shape=jax.ShapeDtypeStruct((B, D), jnp.float32),
)


TOK_TILE = 256
N_TILES = N // TOK_TILE


def _tc_encode(hist_ref, w_ref, b_ref, out_ref):
    out_ref[...] = jnp.dot(hist_ref[...], w_ref[...],
                           preferred_element_type=jnp.float32) + b_ref[...]


_tc_encode_call = pl.pallas_call(
    _tc_encode,
    grid=(N_TILES,),
    in_specs=[
        pl.BlockSpec((TOK_TILE, D), lambda i: (i, 0)),
        pl.BlockSpec((D, D), lambda i: (0, 0)),
        pl.BlockSpec((1, D), lambda i: (0, 0)),
    ],
    out_specs=pl.BlockSpec((TOK_TILE, D), lambda i: (i, 0)),
    out_shape=jax.ShapeDtypeStruct((N, D), jnp.float32),
    compiler_params=pltpu.CompilerParams(
        dimension_semantics=("arbitrary",),
    ),
)


def _tc_argmin(x_ref, xsq_ref, csq_ref, cb_ref, out_ref):
    x = x_ref[...]
    mm = lax.dot_general(x, cb_ref[...], (((1,), (1,)), ((), ())),
                         preferred_element_type=jnp.float32)
    dist = (xsq_ref[...] + csq_ref[...]) - 2.0 * mm
    minv = jnp.min(dist, axis=1, keepdims=True)
    kiota = lax.broadcasted_iota(jnp.int32, (TOK_TILE, K), 1)
    idx = jnp.min(jnp.where(dist == minv, kiota, K), axis=1, keepdims=True)
    out_ref[...] = idx


_tc_argmin_call = pl.pallas_call(
    _tc_argmin,
    grid=(N_TILES,),
    in_specs=[
        pl.BlockSpec((TOK_TILE, D), lambda i: (i, 0)),
        pl.BlockSpec((TOK_TILE, 1), lambda i: (i, 0)),
        pl.BlockSpec((1, K), lambda i: (0, 0)),
        pl.BlockSpec((K, D), lambda i: (0, 0)),
    ],
    out_specs=pl.BlockSpec((TOK_TILE, 1), lambda i: (i, 0)),
    out_shape=jax.ShapeDtypeStruct((N, 1), jnp.int32),
    compiler_params=pltpu.CompilerParams(
        dimension_semantics=("arbitrary",),
    ),
)


def kernel(history_item_ids, history_item_masks, embedding_table,
           code_book, W_enc, b_enc):
    ids_flat = history_item_ids.reshape(N)
    hist = _sc_gather_rows(embedding_table, ids_flat)
    x = _tc_encode_call(hist.astype(jnp.bfloat16), W_enc, b_enc.reshape(1, D))
    xsq = jnp.sum(x ** 2, axis=1, keepdims=True)
    csq = jnp.sum(code_book ** 2, axis=1).reshape(1, K)
    idx_col = _tc_argmin_call(x.astype(jnp.bfloat16), xsq, csq, code_book)
    sums = _sc_quantize_sum(code_book, idx_col.reshape(N))
    return _tc_finalize_call(sums, history_item_masks)

# --- scband reference (transcript-rebuilt; emitter-appended) ---
"""Pipeline reference for scband-dnn-70695161692570 (READ-ONLY COPY).

The authoritative reference and input builder live on the scoring server;
editing this copy changes nothing except your own understanding.
"""

import jax, jax.numpy as jnp
import numpy as np

ITEM_COUNT = 100000
D = 128
K = 8192
L = 20
B = 1024


def setup_inputs(seed: int = 0) -> dict:
    key = jax.random.key(seed)
    k1, k2, k3, k4 = jax.random.split(key, 4)
    history_item_ids = jax.random.randint(k1, (B, L), 0, ITEM_COUNT, dtype=jnp.int32)
    history_item_masks = jnp.ones((B, L), dtype=jnp.int32)
    embedding_table = jax.random.normal(k2, (ITEM_COUNT, D), dtype=jnp.float32) * 0.1
    code_book = jax.random.normal(k3, (K, D), dtype=jnp.float32) * 0.1
    W_enc = jax.random.normal(k4, (D, D), dtype=jnp.float32) * 0.05
    b_enc = jnp.zeros((D,), dtype=jnp.float32)
    return {
        'history_item_ids': history_item_ids,
        'history_item_masks': history_item_masks,
        'embedding_table': embedding_table,
        'code_book': code_book,
        'W_enc': W_enc,
        'b_enc': b_enc,
    }


def reference(history_item_ids, history_item_masks, embedding_table, code_book, W_enc, b_enc):
    # mask = cast(history_item_masks >= 1, float32)
    mask = (history_item_masks >= 1).astype(jnp.float32)
    # embedding lookup: [B, L, D]
    hist_emb = jnp.take(embedding_table, history_item_ids, axis=0)
    # encoder: dense to embedding_dim, flatten to [B*L, D]
    x = hist_emb @ W_enc + b_enc
    flattened = x.reshape(-1, D)
    # VQ: nearest codebook entry via squared L2 distances
    distances = (
        jnp.sum(flattened ** 2, axis=1, keepdims=True)
        + jnp.sum(code_book ** 2, axis=1)
        - 2.0 * (flattened @ code_book.T)
    )
    encoding_indices = jnp.argmin(distances, axis=1)
    encodings = jax.nn.one_hot(encoding_indices, K, dtype=jnp.float32)
    quantized = encodings @ code_book
    vq_x = quantized.reshape(-1, L, D)
    vq_mean = jnp.sum(vq_x, axis=1) / jnp.sum(mask, axis=-1).reshape(-1, 1)
    return vq_mean

if __name__ == "__main__":
    import jax
    _d = setup_inputs()
    print(jax.jit(kernel)(*tuple(_d.values())))

</pallas_src>

<mosaic_0001>
#map = affine_map<(d0, d1) -> (0, 0)>
#map1 = affine_map<(d0, d1) -> (0)>
module attributes {stable_mosaic.version = 14 : i64} {
  func.func @_sc_quantize_sum(%arg0: i32, %arg1: i32, %arg2: memref<8192x128xf32, #tpu.memory_space<hbm>>, %arg3: memref<20480xi32, #tpu.memory_space<hbm>>, %arg4: memref<1024x128xf32, #tpu.memory_space<hbm>>, %arg5: memref<640xi32, #tpu.memory_space<vmem>>, %arg6: memref<640x128xf32, #tpu.memory_space<vmem>>, %arg7: memref<32x128xf32, #tpu.memory_space<vmem>>, %arg8: memref<!tpu.dma_semaphore, #tpu.memory_space<semaphore_mem>>) attributes {dimension_semantics = [#tpu.dimension_semantics<core_parallel>, #tpu.dimension_semantics<subcore_parallel>], iteration_bounds = array<i64: 2, 16>, scalar_prefetch = 0 : i64, scratch_operands = 4 : i64, tpu.core_type = #tpu.core_type<sc_vector_subcore>, window_params = [{transform_indices = #map}, {transform_indices = #map1}, {transform_indices = #map}]} {
    %mul3A = arith.constant 2 : i32
    %mul3A_0 = arith.muli %arg1, %mul3A : i32
    %add3A = arith.addi %mul3A_0, %arg0 : i32
    %mul3A_1 = arith.constant 640 : i32
    %mul3A_2 = arith.muli %add3A, %mul3A_1 : i32
    "tpu.region"() ({
      %run_scoped3A = tpu.sem_alloc : memref<!tpu.dma_semaphore, #tpu.memory_space<semaphore_mem>>
      %dma_start3A_88 = tpu.memref_slice %arg3[%mul3A_2] : memref<20480xi32, #tpu.memory_space<hbm>> -> memref<640xi32, #tpu.memory_space<hbm>>
      %dma_start3A_89 = tpu.memref_slice %arg3[%mul3A_2] : memref<20480xi32, #tpu.memory_space<hbm>> -> memref<640xi32, #tpu.memory_space<hbm>>
      tpu.enqueue_dma source(%dma_start3A_89 : memref<640xi32, #tpu.memory_space<hbm>>) target(%arg5 : memref<640xi32, #tpu.memory_space<vmem>>) target_semaphore(%run_scoped3A : memref<!tpu.dma_semaphore, #tpu.memory_space<semaphore_mem>>)
      %dma_wait3A_90 = tpu.memref_slice %arg3[%mul3A_2] : memref<20480xi32, #tpu.memory_space<hbm>> -> memref<640xi32, #tpu.memory_space<hbm>>
      %dma_wait3A_91 = tpu.memref_slice %arg3[%mul3A_2] : memref<20480xi32, #tpu.memory_space<hbm>> -> memref<640xi32, #tpu.memory_space<hbm>>
      tpu.wait_dma2 semaphore(%run_scoped3A : memref<!tpu.dma_semaphore, #tpu.memory_space<semaphore_mem>>) src(%dma_wait3A_91 : memref<640xi32, #tpu.memory_space<hbm>>) dst(%arg5 : memref<640xi32, #tpu.memory_space<vmem>>)
      tpu.yield
    }) : () -> ()
    %dma_start3A = arith.constant 0 : i32
    %dma_start3A_3 = arith.constant 0 : i32
    %dma_start3A_4 = tpu.memref_slice %arg6[%dma_start3A, %dma_start3A_3] : memref<640x128xf32, #tpu.memory_space<vmem>> -> memref<128x128xf32, #tpu.memory_space<vmem>>
    %dma_start3A_5 = arith.constant 0 : i32
    %dma_start3A_6 = tpu.memref_slice %arg5[%dma_start3A_5] : memref<640xi32, #tpu.memory_space<vmem>> -> memref<128xi32, #tpu.memory_space<vmem>>
    %dma_start3A_7 = arith.constant 0 : i32
    %dma_start3A_8 = arith.constant 0 : i32
    %dma_start3A_9 = tpu.memref_slice %arg2[%dma_start3A_7, %dma_start3A_8] : memref<8192x128xf32, #tpu.memory_space<hbm>> -> memref<8192x128xf32, #tpu.memory_space<hbm>>
    tpu.enqueue_indirect_dma source(%dma_start3A_9 : memref<8192x128xf32, #tpu.memory_space<hbm>>) target(%dma_start3A_4 : memref<128x128xf32, #tpu.memory_space<vmem>>) offsets(%dma_start3A_6 : memref<128xi32, #tpu.memory_space<vmem>>) semaphore(%arg8 : memref<!tpu.dma_semaphore, #tpu.memory_space<semaphore_mem>>)
    %dma_start3A_10 = arith.constant 128 : i32
    %dma_start3A_11 = arith.constant 0 : i32
    %dma_start3A_12 = tpu.memref_slice %arg6[%dma_start3A_10, %dma_start3A_11] : memref<640x128xf32, #tpu.memory_space<vmem>> -> memref<128x128xf32, #tpu.memory_space<vmem>>
    %dma_start3A_13 = arith.constant 128 : i32
    %dma_start3A_14 = tpu.memref_slice %arg5[%dma_start3A_13] : memref<640xi32, #tpu.memory_space<vmem>> -> memref<128xi32, #tpu.memory_space<vmem>>
    %dma_start3A_15 = arith.constant 0 : i32
    %dma_start3A_16 = arith.constant 0 : i32
    %dma_start3A_17 = tpu.memref_slice %arg2[%dma_start3A_15, %dma_start3A_16] : memref<8192x128xf32, #tpu.memory_space<hbm>> -> memref<8192x128xf32, #tpu.memory_space<hbm>>
    tpu.enqueue_indirect_dma source(%dma_start3A_17 : memref<8192x128xf32, #tpu.memory_space<hbm>>) target(%dma_start3A_12 : memref<128x128xf32, #tpu.memory_space<vmem>>) offsets(%dma_start3A_14 : memref<128xi32, #tpu.memory_space<vmem>>) semaphore(%arg8 : memref<!tpu.dma_semaphore, #tpu.memory_space<semaphore_mem>>)
    %dma_start3A_18 = arith.constant 256 : i32
    %dma_start3A_19 = arith.constant 0 : i32
    %dma_start3A_20 = tpu.memref_slice %arg6[%dma_start3A_18, %dma_start3A_19] : memref<640x128xf32, #tpu.memory_space<vmem>> -> memref<128x128xf32, #tpu.memory_space<vmem>>
    %dma_start3A_21 = arith.constant 256 : i32
    %dma_start3A_22 = tpu.memref_slice %arg5[%dma_start3A_21] : memref<640xi32, #tpu.memory_space<vmem>> -> memref<128xi32, #tpu.memory_space<vmem>>
    %dma_start3A_23 = arith.constant 0 : i32
    %dma_start3A_24 = arith.constant 0 : i32
    %dma_start3A_25 = tpu.memref_slice %arg2[%dma_start3A_23, %dma_start3A_24] : memref<8192x128xf32, #tpu.memory_space<hbm>> -> memref<8192x128xf32, #tpu.memory_space<hbm>>
    tpu.enqueue_indirect_dma source(%dma_start3A_25 : memref<8192x128xf32, #tpu.memory_space<hbm>>) target(%dma_start3A_20 : memref<128x128xf32, #tpu.memory_space<vmem>>) offsets(%dma_start3A_22 : memref<128xi32, #tpu.memory_space<vmem>>) semaphore(%arg8 : memref<!tpu.dma_semaphore, #tpu.memory_space<semaphore_mem>>)
    %dma_start3A_26 = arith.constant 384 : i32
    %dma_start3A_27 = arith.constant 0 : i32
    %dma_start3A_28 = tpu.memref_slice %arg6[%dma_start3A_26, %dma_start3A_27] : memref<640x128xf32, #tpu.memory_space<vmem>> -> memref<128x128xf32, #tpu.memory_space<vmem>>
    %dma_start3A_29 = arith.constant 384 : i32
    %dma_start3A_30 = tpu.memref_slice %arg5[%dma_start3A_29] : memref<640xi32, #tpu.memory_space<vmem>> -> memref<128xi32, #tpu.memory_space<vmem>>
    %dma_start3A_31 = arith.constant 0 : i32
    %dma_start3A_32 = arith.constant 0 : i32
    %dma_start3A_33 = tpu.memref_slice %arg2[%dma_start3A_31, %dma_start3A_32] : memref<8192x128xf32, #tpu.memory_space<hbm>> -> memref<8192x128xf32, #tpu.memory_space<hbm>>
    tpu.enqueue_indirect_dma source(%dma_start3A_33 : memref<8192x128xf32, #tpu.memory_space<hbm>>) target(%dma_start3A_28 : memref<128x128xf32, #tpu.memory_space<vmem>>) offsets(%dma_start3A_30 : memref<128xi32, #tpu.memory_space<vmem>>) semaphore(%arg8 : memref<!tpu.dma_semaphore, #tpu.memory_space<semaphore_mem>>)
    %dma_start3A_34 = arith.constant 512 : i32
    %dma_start3A_35 = arith.constant 0 : i32
    %dma_start3A_36 = tpu.memref_slice %arg6[%dma_start3A_34, %dma_start3A_35] : memref<640x128xf32, #tpu.memory_space<vmem>> -> memref<128x128xf32, #tpu.memory_space<vmem>>
    %dma_start3A_37 = arith.constant 512 : i32
    %dma_start3A_38 = tpu.memref_slice %arg5[%dma_start3A_37] : memref<640xi32, #tpu.memory_space<vmem>> -> memref<128xi32, #tpu.memory_space<vmem>>
    %dma_start3A_39 = arith.constant 0 : i32
    %dma_start3A_40 = arith.constant 0 : i32
    %dma_start3A_41 = tpu.memref_slice %arg2[%dma_start3A_39, %dma_start3A_40] : memref<8192x128xf32, #tpu.memory_space<hbm>> -> memref<8192x128xf32, #tpu.memory_space<hbm>>
    tpu.enqueue_indirect_dma source(%dma_start3A_41 : memref<8192x128xf32, #tpu.memory_space<hbm>>) target(%dma_start3A_36 : memref<128x128xf32, #tpu.memory_space<vmem>>) offsets(%dma_start3A_38 : memref<128xi32, #tpu.memory_space<vmem>>) semaphore(%arg8 : memref<!tpu.dma_semaphore, #tpu.memory_space<semaphore_mem>>)
    %dma_wait3A = arith.constant 0 : i32
    %dma_wait3A_42 = arith.constant 0 : i32
    %dma_wait3A_43 = tpu.memref_slice %arg6[%dma_wait3A, %dma_wait3A_42] : memref<640x128xf32, #tpu.memory_space<vmem>> -> memref<128x128xf32, #tpu.memory_space<vmem>>
    %dma_wait3A_44 = arith.constant 0 : i32
    %dma_wait3A_45 = tpu.memref_slice %arg5[%dma_wait3A_44] : memref<640xi32, #tpu.memory_space<vmem>> -> memref<128xi32, #tpu.memory_space<vmem>>
    %dma_wait3A_46 = arith.constant 0 : i32
    %dma_wait3A_47 = arith.constant 0 : i32
    %dma_wait3A_48 = tpu.memref_slice %arg2[%dma_wait3A_46, %dma_wait3A_47] : memref<8192x128xf32, #tpu.memory_space<hbm>> -> memref<8192x128xf32, #tpu.memory_space<hbm>>
    tpu.wait_indirect_dma semaphore(%arg8 : memref<!tpu.dma_semaphore, #tpu.memory_space<semaphore_mem>>) src(%dma_wait3A_48 : memref<8192x128xf32, #tpu.memory_space<hbm>>) dst(%dma_wait3A_43 : memref<128x128xf32, #tpu.memory_space<vmem>>)
    %dma_wait3A_49 = arith.constant 128 : i32
    %dma_wait3A_50 = arith.constant 0 : i32
    %dma_wait3A_51 = tpu.memref_slice %arg6[%dma_wait3A_49, %dma_wait3A_50] : memref<640x128xf32, #tpu.memory_space<vmem>> -> memref<128x128xf32, #tpu.memory_space<vmem>>
    %dma_wait3A_52 = arith.constant 128 : i32
    %dma_wait3A_53 = tpu.memref_slice %arg5[%dma_wait3A_52] : memref<640xi32, #tpu.memory_space<vmem>> -> memref<128xi32, #tpu.memory_space<vmem>>
    %dma_wait3A_54 = arith.constant 0 : i32
    %dma_wait3A_55 = arith.constant 0 : i32
    %dma_wait3A_56 = tpu.memref_slice %arg2[%dma_wait3A_54, %dma_wait3A_55] : memref<8192x128xf32, #tpu.memory_space<hbm>> -> memref<8192x128xf32, #tpu.memory_space<hbm>>
    tpu.wait_indirect_dma semaphore(%arg8 : memref<!tpu.dma_semaphore, #tpu.memory_space<semaphore_mem>>) src(%dma_wait3A_56 : memref<8192x128xf32, #tpu.memory_space<hbm>>) dst(%dma_wait3A_51 : memref<128x128xf32, #tpu.memory_space<vmem>>)
    %dma_wait3A_57 = arith.constant 256 : i32
    %dma_wait3A_58 = arith.constant 0 : i32
    %dma_wait3A_59 = tpu.memref_slice %arg6[%dma_wait3A_57, %dma_wait3A_58] : memref<640x128xf32, #tpu.memory_space<vmem>> -> memref<128x128xf32, #tpu.memory_space<vmem>>
    %dma_wait3A_60 = arith.constant 256 : i32
    %dma_wait3A_61 = tpu.memref_slice %arg5[%dma_wait3A_60] : memref<640xi32, #tpu.memory_space<vmem>> -> memref<128xi32, #tpu.memory_space<vmem>>
    %dma_wait3A_62 = arith.constant 0 : i32
    %dma_wait3A_63 = arith.constant 0 : i32
    %dma_wait3A_64 = tpu.memref_slice %arg2[%dma_wait3A_62, %dma_wait3A_63] : memref<8192x128xf32, #tpu.memory_space<hbm>> -> memref<8192x128xf32, #tpu.memory_space<hbm>>
    tpu.wait_indirect_dma semaphore(%arg8 : memref<!tpu.dma_semaphore, #tpu.memory_space<semaphore_mem>>) src(%dma_wait3A_64 : memref<8192x128xf32, #tpu.memory_space<hbm>>) dst(%dma_wait3A_59 : memref<128x128xf32, #tpu.memory_space<vmem>>)
    %dma_wait3A_65 = arith.constant 384 : i32
    %dma_wait3A_66 = arith.constant 0 : i32
    %dma_wait3A_67 = tpu.memref_slice %arg6[%dma_wait3A_65, %dma_wait3A_66] : memref<640x128xf32, #tpu.memory_space<vmem>> -> memref<128x128xf32, #tpu.memory_space<vmem>>
    %dma_wait3A_68 = arith.constant 384 : i32
    %dma_wait3A_69 = tpu.memref_slice %arg5[%dma_wait3A_68] : memref<640xi32, #tpu.memory_space<vmem>> -> memref<128xi32, #tpu.memory_space<vmem>>
    %dma_wait3A_70 = arith.constant 0 : i32
    %dma_wait3A_71 = arith.constant 0 : i32
    %dma_wait3A_72 = tpu.memref_slice %arg2[%dma_wait3A_70, %dma_wait3A_71] : memref<8192x128xf32, #tpu.memory_space<hbm>> -> memref<8192x128xf32, #tpu.memory_space<hbm>>
    tpu.wait_indirect_dma semaphore(%arg8 : memref<!tpu.dma_semaphore, #tpu.memory_space<semaphore_mem>>) src(%dma_wait3A_72 : memref<8192x128xf32, #tpu.memory_space<hbm>>) dst(%dma_wait3A_67 : memref<128x128xf32, #tpu.memory_space<vmem>>)
    %dma_wait3A_73 = arith.constant 512 : i32
    %dma_wait3A_74 = arith.constant 0 : i32
    %dma_wait3A_75 = tpu.memref_slice %arg6[%dma_wait3A_73, %dma_wait3A_74] : memref<640x128xf32, #tpu.memory_space<vmem>> -> memref<128x128xf32, #tpu.memory_space<vmem>>
    %dma_wait3A_76 = arith.constant 512 : i32
    %dma_wait3A_77 = tpu.memref_slice %arg5[%dma_wait3A_76] : memref<640xi32, #tpu.memory_space<vmem>> -> memref<128xi32, #tpu.memory_space<vmem>>
    %dma_wait3A_78 = arith.constant 0 : i32
    %dma_wait3A_79 = arith.constant 0 : i32
    %dma_wait3A_80 = tpu.memref_slice %arg2[%dma_wait3A_78, %dma_wait3A_79] : memref<8192x128xf32, #tpu.memory_space<hbm>> -> memref<8192x128xf32, #tpu.memory_space<hbm>>
    tpu.wait_indirect_dma semaphore(%arg8 : memref<!tpu.dma_semaphore, #tpu.memory_space<semaphore_mem>>) src(%dma_wait3A_80 : memref<8192x128xf32, #tpu.memory_space<hbm>>) dst(%dma_wait3A_75 : memref<128x128xf32, #tpu.memory_space<vmem>>)
    %scan3A = arith.constant 0 : i32
    %scan3A_81 = arith.constant 0 : i32
    %scan3A_82 = arith.constant 32 : i32
    %scan3A_83 = arith.addi %scan3A_81, %scan3A_82 : i32
    %scan3A_84 = arith.constant 1 : i32
    scf.for %scan3A_88 = %scan3A_81 to %scan3A_83 step %scan3A_84  : i32 {
      %mul3A_89 = arith.constant 20 : i32
      %mul3A_90 = arith.muli %scan3A_88, %mul3A_89 : i32
      %broadcast_in_dim3A = arith.constant 0.000000e+00 : f32
      %broadcast_in_dim3A_91 = vector.broadcast %broadcast_in_dim3A : f32 to vector<16xf32>
      %broadcast_in_dim3A_92 = arith.constant 0.000000e+00 : f32
      %broadcast_in_dim3A_93 = vector.broadcast %broadcast_in_dim3A_92 : f32 to vector<16xf32>
      %broadcast_in_dim3A_94 = arith.constant 0.000000e+00 : f32
      %broadcast_in_dim3A_95 = vector.broadcast %broadcast_in_dim3A_94 : f32 to vector<16xf32>
      %broadcast_in_dim3A_96 = arith.constant 0.000000e+00 : f32
      %broadcast_in_dim3A_97 = vector.broadcast %broadcast_in_dim3A_96 : f32 to vector<16xf32>
      %broadcast_in_dim3A_98 = arith.constant 0.000000e+00 : f32
      %broadcast_in_dim3A_99 = vector.broadcast %broadcast_in_dim3A_98 : f32 to vector<16xf32>
      %broadcast_in_dim3A_100 = arith.constant 0.000000e+00 : f32
      %broadcast_in_dim3A_101 = vector.broadcast %broadcast_in_dim3A_100 : f32 to vector<16xf32>
      %broadcast_in_dim3A_102 = arith.constant 0.000000e+00 : f32
      %broadcast_in_dim3A_103 = vector.broadcast %broadcast_in_dim3A_102 : f32 to vector<16xf32>
      %broadcast_in_dim3A_104 = arith.constant 0.000000e+00 : f32
      %broadcast_in_dim3A_105 = vector.broadcast %broadcast_in_dim3A_104 : f32 to vector<16xf32>
      %add3A_106 = arith.constant 0 : i32
      %add3A_107 = arith.addi %mul3A_90, %add3A_106 : i32
      %get3A = arith.index_cast %add3A_107 : i32 to index
      %get3A_108 = arith.constant 0 : index
      %get3A_109 = tpu.vector_load %arg6[%get3A, %get3A_108] {strides = array<i32>} : memref<640x128xf32, #tpu.memory_space<vmem>>, vector<1x16xf32>,
      %get3A_110 = vector.shape_cast %get3A_109 : vector<1x16xf32> to vector<16xf32>
      %add3A_111 = arith.addf %broadcast_in_dim3A_91, %get3A_110 : vector<16xf32>
      %add3A_112 = arith.constant 0 : i32
      %add3A_113 = arith.addi %mul3A_90, %add3A_112 : i32
      %get3A_114 = arith.index_cast %add3A_113 : i32 to index
      %get3A_115 = arith.constant 16 : index
      %get3A_116 = tpu.vector_load %arg6[%get3A_114, %get3A_115] {strides = array<i32>} : memref<640x128xf32, #tpu.memory_space<vmem>>, vector<1x16xf32>,
      %get3A_117 = vector.shape_cast %get3A_116 : vector<1x16xf32> to vector<16xf32>
      %add3A_118 = arith.addf %broadcast_in_dim3A_93, %get3A_117 : vector<16xf32>
      %add3A_119 = arith.constant 0 : i32
      %add3A_120 = arith.addi %mul3A_90, %add3A_119 : i32
      %get3A_121 = arith.index_cast %add3A_120 : i32 to index
      %get3A_122 = arith.constant 32 : index
      %get3A_123 = tpu.vector_load %arg6[%get3A_121, %get3A_122] {strides = array<i32>} : memref<640x128xf32, #tpu.memory_space<vmem>>, vector<1x16xf32>,
      %get3A_124 = vector.shape_cast %get3A_123 : vector<1x16xf32> to vector<16xf32>
      %add3A_125 = arith.addf %broadcast_in_dim3A_95, %get3A_124 : vector<16xf32>
      %add3A_126 = arith.constant 0 : i32
      %add3A_127 = arith.addi %mul3A_90, %add3A_126 : i32
      %get3A_128 = arith.index_cast %add3A_127 : i32 to index
      %get3A_129 = arith.constant 48 : index
      %get3A_130 = tpu.vector_load %arg6[%get3A_128, %get3A_129] {strides = array<i32>} : memref<640x128xf32, #tpu.memory_space<vmem>>, vector<1x16xf32>,
      %get3A_131 = vector.shape_cast %get3A_130 : vector<1x16xf32> to vector<16xf32>
      %add3A_132 = arith.addf %broadcast_in_dim3A_97, %get3A_131 : vector<16xf32>
      %add3A_133 = arith.constant 0 : i32
      %add3A_134 = arith.addi %mul3A_90, %add3A_133 : i32
      %get3A_135 = arith.index_cast %add3A_134 : i32 to index
      %get3A_136 = arith.constant 64 : index
      %get3A_137 = tpu.vector_load %arg6[%get3A_135, %get3A_136] {strides = array<i32>} : memref<640x128xf32, #tpu.memory_space<vmem>>, vector<1x16xf32>,
      %get3A_138 = vector.shape_cast %get3A_137 : vector<1x16xf32> to vector<16xf32>
      %add3A_139 = arith.addf %broadcast_in_dim3A_99, %get3A_138 : vector<16xf32>
      %add3A_140 = arith.constant 0 : i32
      %add3A_141 = arith.addi %mul3A_90, %add3A_140 : i32
      %get3A_142 = arith.index_cast %add3A_141 : i32 to index
      %get3A_143 = arith.constant 80 : index
      %get3A_144 = tpu.vector_load %arg6[%get3A_142, %get3A_143] {strides = array<i32>} : memref<640x128xf32, #tpu.memory_space<vmem>>, vector<1x16xf32>,
      %get3A_145 = vector.shape_cast %get3A_144 : vector<1x16xf32> to vector<16xf32>
      %add3A_146 = arith.addf %broadcast_in_dim3A_101, %get3A_145 : vector<16xf32>
      %add3A_147 = arith.constant 0 : i32
      %add3A_148 = arith.addi %mul3A_90, %add3A_147 : i32
      %get3A_149 = arith.index_cast %add3A_148 : i32 to index
      %get3A_150 = arith.constant 96 : index
      %get3A_151 = tpu.vector_load %arg6[%get3A_149, %get3A_150] {strides = array<i32>} : memref<640x128xf32, #tpu.memory_space<vmem>>, vector<1x16xf32>,
      %get3A_152 = vector.shape_cast %get3A_151 : vector<1x16xf32> to vector<16xf32>
      %add3A_153 = arith.addf %broadcast_in_dim3A_103, %get3A_152 : vector<16xf32>
      %add3A_154 = arith.constant 0 : i32
      %add3A_155 = arith.addi %mul3A_90, %add3A_154 : i32
      %get3A_156 = arith.index_cast %add3A_155 : i32 to index
      %get3A_157 = arith.constant 112 : index
      %get3A_158 = tpu.vector_load %arg6[%get3A_156, %get3A_157] {strides = array<i32>} : memref<640x128xf32, #tpu.memory_space<vmem>>, vector<1x16xf32>,
      %get3A_159 = vector.shape_cast %get3A_158 : vector<1x16xf32> to vector<16xf32>
      %add3A_160 = arith.addf %broadcast_in_dim3A_105, %get3A_159 : vector<16xf32>
      %add3A_161 = arith.constant 1 : i32
      %add3A_162 = arith.addi %mul3A_90, %add3A_161 : i32
      %get3A_163 = arith.index_cast %add3A_162 : i32 to index
      %get3A_164 = arith.constant 0 : index
      %get3A_165 = tpu.vector_load %arg6[%get3A_163, %get3A_164] {strides = array<i32>} : memref<640x128xf32, #tpu.memory_space<vmem>>, vector<1x16xf32>,
      %get3A_166 = vector.shape_cast %get3A_165 : vector<1x16xf32> to vector<16xf32>
      %add3A_167 = arith.addf %add3A_111, %get3A_166 : vector<16xf32>
      %add3A_168 = arith.constant 1 : i32
      %add3A_169 = arith.addi %mul3A_90, %add3A_168 : i32
      %get3A_170 = arith.index_cast %add3A_169 : i32 to index
      %get3A_171 = arith.constant 16 : index
      %get3A_172 = tpu.vector_load %arg6[%get3A_170, %get3A_171] {strides = array<i32>} : memref<640x128xf32, #tpu.memory_space<vmem>>, vector<1x16xf32>,
      %get3A_173 = vector.shape_cast %get3A_172 : vector<1x16xf32> to vector<16xf32>
      %add3A_174 = arith.addf %add3A_118, %get3A_173 : vector<16xf32>
      %add3A_175 = arith.constant 1 : i32
      %add3A_176 = arith.addi %mul3A_90, %add3A_175 : i32
      %get3A_177 = arith.index_cast %add3A_176 : i32 to index
      %get3A_178 = arith.constant 32 : index
      %get3A_179 = tpu.vector_load %arg6[%get3A_177, %get3A_178] {strides = array<i32>} : memref<640x128xf32, #tpu.memory_space<vmem>>, vector<1x16xf32>,
      %get3A_180 = vector.shape_cast %get3A_179 : vector<1x16xf32> to vector<16xf32>
      %add3A_181 = arith.addf %add3A_125, %get3A_180 : vector<16xf32>
      %add3A_182 = arith.constant 1 : i32
      %add3A_183 = arith.addi %mul3A_90, %add3A_182 : i32
      %get3A_184 = arith.index_cast %add3A_183 : i32 to index
      %get3A_185 = arith.constant 48 : index
      %get3A_186 = tpu.vector_load %arg6[%get3A_184, %get3A_185] {strides = array<i32>} : memref<640x128xf32, #tpu.memory_space<vmem>>, vector<1x16xf32>,
      %get3A_187 = vector.shape_cast %get3A_186 : vector<1x16xf32> to vector<16xf32>
      %add3A_188 = arith.addf %add3A_132, %get3A_187 : vector<16xf32>
      %add3A_189 = arith.constant 1 : i32
      %add3A_190 = arith.addi %mul3A_90, %add3A_189 : i32
      %get3A_191 = arith.index_cast %add3A_190 : i32 to index
      %get3A_192 = arith.constant 64 : index
      %get3A_193 = tpu.vector_load %arg6[%get3A_191, %get3A_192] {strides = array<i32>} : memref<640x128xf32, #tpu.memory_space<vmem>>, vector<1x16xf32>,
      %get3A_194 = vector.shape_cast %get3A_193 : vector<1x16xf32> to vector<16xf32>
      %add3A_195 = arith.addf %add3A_139, %get3A_194 : vector<16xf32>
      %add3A_196 = arith.constant 1 : i32
      %add3A_197 = arith.addi %mul3A_90, %add3A_196 : i32
      %get3A_198 = arith.index_cast %add3A_197 : i32 to index
      %get3A_199 = arith.constant 80 : index
      %get3A_200 = tpu.vector_load %arg6[%get3A_198, %get3A_199] {strides = array<i32>} : memref<640x128xf32, #tpu.memory_space<vmem>>, vector<1x16xf32>,
      %get3A_201 = vector.shape_cast %get3A_200 : vector<1x16xf32> to vector<16xf32>
      %add3A_202 = arith.addf %add3A_146, %get3A_201 : vector<16xf32>
      %add3A_203 = arith.constant 1 : i32
      %add3A_204 = arith.addi %mul3A_90, %add3A_203 : i32
      %get3A_205 = arith.index_cast %add3A_204 : i32 to index
      %get3A_206 = arith.constant 96 : index
      %get3A_207 = tpu.vector_load %arg6[%get3A_205, %get3A_206] {strides = array<i32>} : memref<640x128xf32, #tpu.memory_space<vmem>>, vector<1x16xf32>,
      %get3A_208 = vector.shape_cast %get3A_207 : vector<1x16xf32> to vector<16xf32>
      %add3A_209 = arith.addf %add3A_153, %get3A_208 : vector<16xf32>
      %add3A_210 = arith.constant 1 : i32
      %add3A_211 = arith.addi %mul3A_90, %add3A_210 : i32
      %get3A_212 = arith.index_cast %add3A_211 : i32 to index
      %get3A_213 = arith.constant 112 : index
      %get3A_214 = tpu.vector_load %arg6[%get3A_212, %get3A_213] {strides = array<i32>} : memref<640x128xf32, #tpu.memory_space<vmem>>, vector<1x16xf32>,
      %get3A_215 = vector.shape_cast %get3A_214 : vector<1x16xf32> to vector<16xf32>
      %add3A_216 = arith.addf %add3A_160, %get3A_215 : vector<16xf32>
      %add3A_217 = arith.constant 2 : i32
      %add3A_218 = arith.addi %mul3A_90, %add3A_217 : i32
      %get3A_219 = arith.index_cast %add3A_218 : i32 to index
      %get3A_220 = arith.constant 0 : index
      %get3A_221 = tpu.vector_load %arg6[%get3A_219, %get3A_220] {strides = array<i32>} : memref<640x128xf32, #tpu.memory_space<vmem>>, vector<1x16xf32>,
      %get3A_222 = vector.shape_cast %get3A_221 : vector<1x16xf32> to vector<16xf32>
      %add3A_223 = arith.addf %add3A_167, %get3A_222 : vector<16xf32>
      %add3A_224 = arith.constant 2 : i32
      %add3A_225 = arith.addi %mul3A_90, %add3A_224 : i32
      %get3A_226 = arith.index_cast %add3A_225 : i32 to index
      %get3A_227 = arith.constant 16 : index
      %get3A_228 = tpu.vector_load %arg6[%get3A_226, %get3A_227] {strides = array<i32>} : memref<640x128xf32, #tpu.memory_space<vmem>>, vector<1x16xf32>,
      %get3A_229 = vector.shape_cast %get3A_228 : vector<1x16xf32> to vector<16xf32>
      %add3A_230 = arith.addf %add3A_174, %get3A_229 : vector<16xf32>
      %add3A_231 = arith.constant 2 : i32
      %add3A_232 = arith.addi %mul3A_90, %add3A_231 : i32
      %get3A_233 = arith.index_cast %add3A_232 : i32 to index
      %get3A_234 = arith.constant 32 : index
      %get3A_235 = tpu.vector_load %arg6[%get3A_233, %get3A_234] {strides = array<i32>} : memref<640x128xf32, #tpu.memory_space<vmem>>, vector<1x16xf32>,
      %get3A_236 = vector.shape_cast %get3A_235 : vector<1x16xf32> to vector<16xf32>
      %add3A_237 = arith.addf %add3A_181, %get3A_236 : vector<16xf32>
      %add3A_238 = arith.constant 2 : i32
      %add3A_239 = arith.addi %mul3A_90, %add3A_238 : i32
      %get3A_240 = arith.index_cast %add3A_239 : i32 to index
      %get3A_241 = arith.constant 48 : index
      %get3A_242 = tpu.vector_load %arg6[%get3A_240, %get3A_241] {strides = array<i32>} : memref<640x128xf32, #tpu.memory_space<vmem>>, vector<1x16xf32>,
      %get3A_243 = vector.shape_cast %get3A_242 : vector<1x16xf32> to vector<16xf32>
      %add3A_244 = arith.addf %add3A_188, %get3A_243 : vector<16xf32>
      %add3A_245 = arith.constant 2 : i32
      %add3A_246 = arith.addi %mul3A_90, %add3A_245 : i32
      %get3A_247 = arith.index_cast %add3A_246 : i32 to index
      %get3A_248 = arith.constant 64 : index
      %get3A_249 = tpu.vector_load %arg6[%get3A_247, %get3A_248] {strides = array<i32>} : memref<640x128xf32, #tpu.memory_space<vmem>>, vector<1x16xf32>,
      %get3A_250 = vector.shape_cast %get3A_249 : vector<1x16xf32> to vector<16xf32>
      %add3A_251 = arith.addf %add3A_195, %get3A_250 : vector<16xf32>
      %add3A_252 = arith.constant 2 : i32
      %add3A_253 = arith.addi %mul3A_90, %add3A_252 : i32
      %get3A_254 = arith.index_cast %add3A_253 : i32 to index
      %get3A_255 = arith.constant 80 : index
      %get3A_256 = tpu.vector_load %arg6[%get3A_254, %get3A_255] {strides = array<i32>} : memref<640x128xf32, #tpu.memory_space<vmem>>, vector<1x16xf32>,
      %get3A_257 = vector.shape_cast %get3A_256 : vector<1x16xf32> to vector<16xf32>
      %add3A_258 = arith.addf %add3A_202, %get3A_257 : vector<16xf32>
      %add3A_259 = arith.constant 2 : i32
      %add3A_260 = arith.addi %mul3A_90, %add3A_259 : i32
      %get3A_261 = arith.index_cast %add3A_260 : i32 to index
      %get3A_262 = arith.constant 96 : index
      %get3A_263 = tpu.vector_load %arg6[%get3A_261, %get3A_262] {strides = array<i32>} : memref<640x128xf32, #tpu.memory_space<vmem>>, vector<1x16xf32>,
      %get3A_264 = vector.shape_cast %get3A_263 : vector<1x16xf32> to vector<16xf32>
      %add3A_265 = arith.addf %add3A_209, %get3A_264 : vector<16xf32>
      %add3A_266 = arith.constant 2 : i32
      %add3A_267 = arith.addi %mul3A_90, %add3A_266 : i32
      %get3A_268 = arith.index_cast %add3A_267 : i32 to index
      %get3A_269 = arith.constant 112 : index
      %get3A_270 = tpu.vector_load %arg6[%get3A_268, %get3A_269] {strides = array<i32>} : memref<640x128xf32, #tpu.memory_space<vmem>>, vector<1x16xf32>,
      %get3A_271 = vector.shape_cast %get3A_270 : vector<1x16xf32> to vector<16xf32>
      %add3A_272 = arith.addf %add3A_216, %get3A_271 : vector<16xf32>
      %add3A_273 = arith.constant 3 : i32
      %add3A_274 = arith.addi %mul3A_90, %add3A_273 : i32
      %get3A_275 = arith.index_cast %add3A_274 : i32 to index
      %get3A_276 = arith.constant 0 : index
      %get3A_277 = tpu.vector_load %arg6[%get3A_275, %get3A_276] {strides = array<i32>} : memref<640x128xf32, #tpu.memory_space<vmem>>, vector<1x16xf32>,
      %get3A_278 = vector.shape_cast %get3A_277 : vector<1x16xf32> to vector<16xf32>
      %add3A_279 = arith.addf %add3A_223, %get3A_278 : vector<16xf32>
      %add3A_280 = arith.constant 3 : i32
      %add3A_281 = arith.addi %mul3A_90, %add3A_280 : i32
      %get3A_282 = arith.index_cast %add3A_281 : i32 to index
      %get3A_283 = arith.constant 16 : index
      %get3A_284 = tpu.vector_load %arg6[%get3A_282, %get3A_283] {strides = array<i32>} : memref<640x128xf32, #tpu.memory_space<vmem>>, vector<1x16xf32>,
      %get3A_285 = vector.shape_cast %get3A_284 : vector<1x16xf32> to vector<16xf32>
      %add3A_286 = arith.addf %add3A_230, %get3A_285 : vector<16xf32>
      %add3A_287 = arith.constant 3 : i32
      %add3A_288 = arith.addi %mul3A_90, %add3A_287 : i32
      %get3A_289 = arith.index_cast %add3A_288 : i32 to index
      %get3A_290 = arith.constant 32 : index
      %get3A_291 = tpu.vector_load %arg6[%get3A_289, %get3A_290] {strides = array<i32>} : memref<640x128xf32, #tpu.memory_space<vmem>>, vector<1x16xf32>,
      %get3A_292 = vector.shape_cast %get3A_291 : vector<1x16xf32> to vector<16xf32>
      %add3A_293 = arith.addf %add3A_237, %get3A_292 : vector<16xf32>
      %add3A_294 = arith.constant 3 : i32
      %add3A_295 = arith.addi %mul3A_90, %add3A_294 : i32
      %get3A_296 = arith.index_cast %add3A_295 : i32 to index
      %get3A_297 = arith.constant 48 : index
      %get3A_298 = tpu.vector_load %arg6[%get3A_296, %get3A_297] {strides = array<i32>} : memref<640x128xf32, #tpu.memory_space<vmem>>, vector<1x16xf32>,
      %get3A_299 = vector.shape_cast %get3A_298 : vector<1x16xf32> to vector<16xf32>
      %add3A_300 = arith.addf %add3A_244, %get3A_299 : vector<16xf32>
      %add3A_301 = arith.constant 3 : i32
      %add3A_302 = arith.addi %mul3A_90, %add3A_301 : i32
      %get3A_303 = arith.index_cast %add3A_302 : i32 to index
      %get3A_304 = arith.constant 64 : index
      %get3A_305 = tpu.vector_load %arg6[%get3A_303, %get3A_304] {strides = array<i32>} : memref<640x128xf32, #tpu.memory_space<vmem>>, vector<1x16xf32>,
      %get3A_306 = vector.shape_cast %get3A_305 : vector<1x16xf32> to vector<16xf32>
      %add3A_307 = arith.addf %add3A_251, %get3A_306 : vector<16xf32>
      %add3A_308 = arith.constant 3 : i32
      %add3A_309 = arith.addi %mul3A_90, %add3A_308 : i32
      %get3A_310 = arith.index_cast %add3A_309 : i32 to index
      %get3A_311 = arith.constant 80 : index
      %get3A_312 = tpu.vector_load %arg6[%get3A_310, %get3A_311] {strides = array<i32>} : memref<640x128xf32, #tpu.memory_space<vmem>>, vector<1x16xf32>,
      %get3A_313 = vector.shape_cast %get3A_312 : vector<1x16xf32> to vector<16xf32>
      %add3A_314 = arith.addf %add3A_258, %get3A_313 : vector<16xf32>
      %add3A_315 = arith.constant 3 : i32
      %add3A_316 = arith.addi %mul3A_90, %add3A_315 : i32
      %get3A_317 = arith.index_cast %add3A_316 : i32 to index
      %get3A_318 = arith.constant 96 : index
      %get3A_319 = tpu.vector_load %arg6[%get3A_317, %get3A_318] {strides = array<i32>} : memref<640x128xf32, #tpu.memory_space<vmem>>, vector<1x16xf32>,
      %get3A_320 = vector.shape_cast %get3A_319 : vector<1x16xf32> to vector<16xf32>
      %add3A_321 = arith.addf %add3A_265, %get3A_320 : vector<16xf32>
      %add3A_322 = arith.constant 3 : i32
      %add3A_323 = arith.addi %mul3A_90, %add3A_322 : i32
      %get3A_324 = arith.index_cast %add3A_323 : i32 to index
      %get3A_325 = arith.constant 112 : index
      %get3A_326 = tpu.vector_load %arg6[%get3A_324, %get3A_325] {strides = array<i32>} : memref<640x128xf32, #tpu.memory_space<vmem>>, vector<1x16xf32>,
      %get3A_327 = vector.shape_cast %get3A_326 : vector<1x16xf32> to vector<16xf32>
      %add3A_328 = arith.addf %add3A_272, %get3A_327 : vector<16xf32>
      %add3A_329 = arith.constant 4 : i32
      %add3A_330 = arith.addi %mul3A_90, %add3A_329 : i32
      %get3A_331 = arith.index_cast %add3A_330 : i32 to index
      %get3A_332 = arith.constant 0 : index
      %get3A_333 = tpu.vector_load %arg6[%get3A_331, %get3A_332] {strides = array<i32>} : memref<640x128xf32, #tpu.memory_space<vmem>>, vector<1x16xf32>,
      %get3A_334 = vector.shape_cast %get3A_333 : vector<1x16xf32> to vector<16xf32>
      %add3A_335 = arith.addf %add3A_279, %get3A_334 : vector<16xf32>
      %add3A_336 = arith.constant 4 : i32
      %add3A_337 = arith.addi %mul3A_90, %add3A_336 : i32
      %get3A_338 = arith.index_cast %add3A_337 : i32 to index
      %get3A_339 = arith.constant 16 : index
      %get3A_340 = tpu.vector_load %arg6[%get3A_338, %get3A_339] {strides = array<i32>} : memref<640x128xf32, #tpu.memory_space<vmem>>, vector<1x16xf32>,
      %get3A_341 = vector.shape_cast %get3A_340 : vector<1x16xf32> to vector<16xf32>
      %add3A_342 = arith.addf %add3A_286, %get3A_341 : vector<16xf32>
      %add3A_343 = arith.constant 4 : i32
      %add3A_344 = arith.addi %mul3A_90, %add3A_343 : i32
      %get3A_345 = arith.index_cast %add3A_344 : i32 to index
      %get3A_346 = arith.constant 32 : index
      %get3A_347 = tpu.vector_load %arg6[%get3A_345, %get3A_346] {strides = array<i32>} : memref<640x128xf32, #tpu.memory_space<vmem>>, vector<1x16xf32>,
      %get3A_348 = vector.shape_cast %get3A_347 : vector<1x16xf32> to vector<16xf32>
      %add3A_349 = arith.addf %add3A_293, %get3A_348 : vector<16xf32>
      %add3A_350 = arith.constant 4 : i32
      %add3A_351 = arith.addi %mul3A_90, %add3A_350 : i32
      %get3A_352 = arith.index_cast %add3A_351 : i32 to index
      %get3A_353 = arith.constant 48 : index
      %get3A_354 = tpu.vector_load %arg6[%get3A_352, %get3A_353] {strides = array<i32>} : memref<640x128xf32, #tpu.memory_space<vmem>>, vector<1x16xf32>,
      %get3A_355 = vector.shape_cast %get3A_354 : vector<1x16xf32> to vector<16xf32>
      %add3A_356 = arith.addf %add3A_300, %get3A_355 : vector<16xf32>
      %add3A_357 = arith.constant 4 : i32
      %add3A_358 = arith.addi %mul3A_90, %add3A_357 : i32
      %get3A_359 = arith.index_cast %add3A_358 : i32 to index
      %get3A_360 = arith.constant 64 : index
      %get3A_361 = tpu.vector_load %arg6[%get3A_359, %get3A_360] {strides = array<i32>} : memref<640x128xf32, #tpu.memory_space<vmem>>, vector<1x16xf32>,
      %get3A_362 = vector.shape_cast %get3A_361 : vector<1x16xf32> to vector<16xf32>
      %add3A_363 = arith.addf %add3A_307, %get3A_362 : vector<16xf32>
      %add3A_364 = arith.constant 4 : i32
      %add3A_365 = arith.addi %mul3A_90, %add3A_364 : i32
      %get3A_366 = arith.index_cast %add3A_365 : i32 to index
      %get3A_367 = arith.constant 80 : index
      %get3A_368 = tpu.vector_load %arg6[%get3A_366, %get3A_367] {strides = array<i32>} : memref<640x128xf32, #tpu.memory_space<vmem>>, vector<1x16xf32>,
      %get3A_369 = vector.shape_cast %get3A_368 : vector<1x16xf32> to vector<16xf32>
      %add3A_370 = arith.addf %add3A_314, %get3A_369 : vector<16xf32>
      %add3A_371 = arith.constant 4 : i32
      %add3A_372 = arith.addi %mul3A_90, %add3A_371 : i32
      %get3A_373 = arith.index_cast %add3A_372 : i32 to index
      %get3A_374 = arith.constant 96 : index
      %get3A_375 = tpu.vector_load %arg6[%get3A_373, %get3A_374] {strides = array<i32>} : memref<640x128xf32, #tpu.memory_space<vmem>>, vector<1x16xf32>,
      %get3A_376 = vector.shape_cast %get3A_375 : vector<1x16xf32> to vector<16xf32>
      %add3A_377 = arith.addf %add3A_321, %get3A_376 : vector<16xf32>
      %add3A_378 = arith.constant 4 : i32
      %add3A_379 = arith.addi %mul3A_90, %add3A_378 : i32
      %get3A_380 = arith.index_cast %add3A_379 : i32 to index
      %get3A_381 = arith.constant 112 : index
      %get3A_382 = tpu.vector_load %arg6[%get3A_380, %get3A_381] {strides = array<i32>} : memref<640x128xf32, #tpu.memory_space<vmem>>, vector<1x16xf32>,
      %get3A_383 = vector.shape_cast %get3A_382 : vector<1x16xf32> to vector<16xf32>
      %add3A_384 = arith.addf %add3A_328, %get3A_383 : vector<16xf32>
      %add3A_385 = arith.constant 5 : i32
      %add3A_386 = arith.addi %mul3A_90, %add3A_385 : i32
      %get3A_387 = arith.index_cast %add3A_386 : i32 to index
      %get3A_388 = arith.constant 0 : index
      %get3A_389 = tpu.vector_load %arg6[%get3A_387, %get3A_388] {strides = array<i32>} : memref<640x128xf32, #tpu.memory_space<vmem>>, vector<1x16xf32>,
      %get3A_390 = vector.shape_cast %get3A_389 : vector<1x16xf32> to vector<16xf32>
      %add3A_391 = arith.addf %add3A_335, %get3A_390 : vector<16xf32>
      %add3A_392 = arith.constant 5 : i32
      %add3A_393 = arith.addi %mul3A_90, %add3A_392 : i32
      %get3A_394 = arith.index_cast %add3A_393 : i32 to index
      %get3A_395 = arith.constant 16 : index
      %get3A_396 = tpu.vector_load %arg6[%get3A_394, %get3A_395] {strides = array<i32>} : memref<640x128xf32, #tpu.memory_space<vmem>>, vector<1x16xf32>,
      %get3A_397 = vector.shape_cast %get3A_396 : vector<1x16xf32> to vector<16xf32>
      %add3A_398 = arith.addf %add3A_342, %get3A_397 : vector<16xf32>
      %add3A_399 = arith.constant 5 : i32
      %add3A_400 = arith.addi %mul3A_90, %add3A_399 : i32
      %get3A_401 = arith.index_cast %add3A_400 : i32 to index
      %get3A_402 = arith.constant 32 : index
      %get3A_403 = tpu.vector_load %arg6[%get3A_401, %get3A_402] {strides = array<i32>} : memref<640x128xf32, #tpu.memory_space<vmem>>, vector<1x16xf32>,
      %get3A_404 = vector.shape_cast %get3A_403 : vector<1x16xf32> to vector<16xf32>
      %add3A_405 = arith.addf %add3A_349, %get3A_404 : vector<16xf32>
      %add3A_406 = arith.constant 5 : i32
      %add3A_407 = arith.addi %mul3A_90, %add3A_406 : i32
      %get3A_408 = arith.index_cast %add3A_407 : i32 to index
      %get3A_409 = arith.constant 48 : index
      %get3A_410 = tpu.vector_load %arg6[%get3A_408, %get3A_409] {strides = array<i32>} : memref<640x128xf32, #tpu.memory_space<vmem>>, vector<1x16xf32>,
      %get3A_411 = vector.shape_cast %get3A_410 : vector<1x16xf32> to vector<16xf32>
      %add3A_412 = arith.addf %add3A_356, %get3A_411 : vector<16xf32>
      %add3A_413 = arith.constant 5 : i32
      %add3A_414 = arith.addi %mul3A_90, %add3A_413 : i32
      %get3A_415 = arith.index_cast %add3A_414 : i32 to index
      %get3A_416 = arith.constant 64 : index
      %get3A_417 = tpu.vector_load %arg6[%get3A_415, %get3A_416] {strides = array<i32>} : memref<640x128xf32, #tpu.memory_space<vmem>>, vector<1x16xf32>,
      %get3A_418 = vector.shape_cast %get3A_417 : vector<1x16xf32> to vector<16xf32>
      %add3A_419 = arith.addf %add3A_363, %get3A_418 : vector<16xf32>
      %add3A_420 = arith.constant 5 : i32
      %add3A_421 = arith.addi %mul3A_90, %add3A_420 : i32
      %get3A_422 = arith.index_cast %add3A_421 : i32 to index
      %get3A_423 = arith.constant 80 : index
      %get3A_424 = tpu.vector_load %arg6[%get3A_422, %get3A_423] {strides = array<i32>} : memref<640x128xf32, #tpu.memory_space<vmem>>, vector<1x16xf32>,
      %get3A_425 = vector.shape_cast %get3A_424 : vector<1x16xf32> to vector<16xf32>
      %add3A_426 = arith.addf %add3A_370, %get3A_425 : vector<16xf32>
      %add3A_427 = arith.constant 5 : i32
      %add3A_428 = arith.addi %mul3A_90, %add3A_427 : i32
      %get3A_429 = arith.index_cast %add3A_428 : i32 to index
      %get3A_430 = arith.constant 96 : index
      %get3A_431 = tpu.vector_load %arg6[%get3A_429, %get3A_430] {strides = array<i32>} : memref<640x128xf32, #tpu.memory_space<vmem>>, vector<1x16xf32>,
      %get3A_432 = vector.shape_cast %get3A_431 : vector<1x16xf32> to vector<16xf32>
      %add3A_433 = arith.addf %add3A_377, %get3A_432 : vector<16xf32>
      %add3A_434 = arith.constant 5 : i32
      %add3A_435 = arith.addi %mul3A_90, %add3A_434 : i32
      %get3A_436 = arith.index_cast %add3A_435 : i32 to index
      %get3A_437 = arith.constant 112 : index
      %get3A_438 = tpu.vector_load %arg6[%get3A_436, %get3A_437] {strides = array<i32>} : memref<640x128xf32, #tpu.memory_space<vmem>>, vector<1x16xf32>,
      %get3A_439 = vector.shape_cast %get3A_438 : vector<1x16xf32> to vector<16xf32>
      %add3A_440 = arith.addf %add3A_384, %get3A_439 : vector<16xf32>
      %add3A_441 = arith.constant 6 : i32
      %add3A_442 = arith.addi %mul3A_90, %add3A_441 : i32
      %get3A_443 = arith.index_cast %add3A_442 : i32 to index
      %get3A_444 = arith.constant 0 : index
      %get3A_445 = tpu.vector_load %arg6[%get3A_443, %get3A_444] {strides = array<i32>} : memref<640x128xf32, #tpu.memory_space<vmem>>, vector<1x16xf32>,
      %get3A_446 = vector.shape_cast %get3A_445 : vector<1x16xf32> to vector<16xf32>
      %add3A_447 = arith.addf %add3A_391, %get3A_446 : vector<16xf32>
      %add3A_448 = arith.constant 6 : i32
      %add3A_449 = arith.addi %mul3A_90, %add3A_448 : i32
      %get3A_450 = arith.index_cast %add3A_449 : i32 to index
      %get3A_451 = arith.constant 16 : index
      %get3A_452 = tpu.vector_load %arg6[%get3A_450, %get3A_451] {strides = array<i32>} : memref<640x128xf32, #tpu.memory_space<vmem>>, vector<1x16xf32>,
      %get3A_453 = vector.shape_cast %get3A_452 : vector<1x16xf32> to vector<16xf32>
      %add3A_454 = arith.addf %add3A_398, %get3A_453 : vector<16xf32>
      %add3A_455 = arith.constant 6 : i32
      %add3A_456 = arith.addi %mul3A_90, %add3A_455 : i32
      %get3A_457 = arith.index_cast %add3A_456 : i32 to index
      %get3A_458 = arith.constant 32 : index
      %get3A_459 = tpu.vector_load %arg6[%get3A_457, %get3A_458] {strides = array<i32>} : memref<640x128xf32, #tpu.memory_space<vmem>>, vector<1x16xf32>,
      %get3A_460 = vector.shape_cast %get3A_459 : vector<1x16xf32> to vector<16xf32>
      %add3A_461 = arith.addf %add3A_405, %get3A_460 : vector<16xf32>
      %add3A_462 = arith.constant 6 : i32
      %add3A_463 = arith.addi %mul3A_90, %add3A_462 : i32
      %get3A_464 = arith.index_cast %add3A_463 : i32 to index
      %get3A_465 = arith.constant 48 : index
      %get3A_466 = tpu.vector_load %arg6[%get3A_464, %get3A_465] {strides = array<i32>} : memref<640x128xf32, #tpu.memory_space<vmem>>, vector<1x16xf32>,
      %get3A_467 = vector.shape_cast %get3A_466 : vector<1x16xf32> to vector<16xf32>
      %add3A_468 = arith.addf %add3A_412, %get3A_467 : vector<16xf32>
      %add3A_469 = arith.constant 6 : i32
      %add3A_470 = arith.addi %mul3A_90, %add3A_469 : i32
      %get3A_471 = arith.index_cast %add3A_470 : i32 to index
      %get3A_472 = arith.constant 64 : index
      %get3A_473 = tpu.vector_load %arg6[%get3A_471, %get3A_472] {strides = array<i32>} : memref<640x128xf32, #tpu.memory_space<vmem>>, vector<1x16xf32>,
      %get3A_474 = vector.shape_cast %get3A_473 : vector<1x16xf32> to vector<16xf32>
      %add3A_475 = arith.addf %add3A_419, %get3A_474 : vector<16xf32>
      %add3A_476 = arith.constant 6 : i32
      %add3A_477 = arith.addi %mul3A_90, %add3A_476 : i32
      %get3A_478 = arith.index_cast %add3A_477 : i32 to index
      %get3A_479 = arith.constant 80 : index
      %get3A_480 = tpu.vector_load %arg6[%get3A_478, %get3A_479] {strides = array<i32>} : memref<640x128xf32, #tpu.memory_space<vmem>>, vector<1x16xf32>,
      %get3A_481 = vector.shape_cast %get3A_480 : vector<1x16xf32> to vector<16xf32>
      %add3A_482 = arith.addf %add3A_426, %get3A_481 : vector<16xf32>
      %add3A_483 = arith.constant 6 : i32
      %add3A_484 = arith.addi %mul3A_90, %add3A_483 : i32
      %get3A_485 = arith.index_cast %add3A_484 : i32 to index
      %get3A_486 = arith.constant 96 : index
      %get3A_487 = tpu.vector_load %arg6[%get3A_485, %get3A_486] {strides = array<i32>} : memref<640x128xf32, #tpu.memory_space<vmem>>, vector<1x16xf32>,
      %get3A_488 = vector.shape_cast %get3A_487 : vector<1x16xf32> to vector<16xf32>
      %add3A_489 = arith.addf %add3A_433, %get3A_488 : vector<16xf32>
      %add3A_490 = arith.constant 6 : i32
      %add3A_491 = arith.addi %mul3A_90, %add3A_490 : i32
      %get3A_492 = arith.index_cast %add3A_491 : i32 to index
      %get3A_493 = arith.constant 112 : index
      %get3A_494 = tpu.vector_load %arg6[%get3A_492, %get3A_493] {strides = array<i32>} : memref<640x128xf32, #tpu.memory_space<vmem>>, vector<1x16xf32>,
      %get3A_495 = vector.shape_cast %get3A_494 : vector<1x16xf32> to vector<16xf32>
      %add3A_496 = arith.addf %add3A_440, %get3A_495 : vector<16xf32>
      %add3A_497 = arith.constant 7 : i32
      %add3A_498 = arith.addi %mul3A_90, %add3A_497 : i32
      %get3A_499 = arith.index_cast %add3A_498 : i32 to index
      %get3A_500 = arith.constant 0 : index
      %get3A_501 = tpu.vector_load %arg6[%get3A_499, %get3A_500] {strides = array<i32>} : memref<640x128xf32, #tpu.memory_space<vmem>>, vector<1x16xf32>,
      %get3A_502 = vector.shape_cast %get3A_501 : vector<1x16xf32> to vector<16xf32>
      %add3A_503 = arith.addf %add3A_447, %get3A_502 : vector<16xf32>
      %add3A_504 = arith.constant 7 : i32
      %add3A_505 = arith.addi %mul3A_90, %add3A_504 : i32
      %get3A_506 = arith.index_cast %add3A_505 : i32 to index
      %get3A_507 = arith.constant 16 : index
      %get3A_508 = tpu.vector_load %arg6[%get3A_506, %get3A_507] {strides = array<i32>} : memref<640x128xf32, #tpu.memory_space<vmem>>, vector<1x16xf32>,
      %get3A_509 = vector.shape_cast %get3A_508 : vector<1x16xf32> to vector<16xf32>
      %add3A_510 = arith.addf %add3A_454, %get3A_509 : vector<16xf32>
      %add3A_511 = arith.constant 7 : i32
      %add3A_512 = arith.addi %mul3A_90, %add3A_511 : i32
      %get3A_513 = arith.index_cast %add3A_512 : i32 to index
      %get3A_514 = arith.constant 32 : index
      %get3A_515 = tpu.vector_load %arg6[%get3A_513, %get3A_514] {strides = array<i32>} : memref<640x128xf32, #tpu.memory_space<vmem>>, vector<1x16xf32>,
      %get3A_516 = vector.shape_cast %get3A_515 : vector<1x16xf32> to vector<16xf32>
      %add3A_517 = arith.addf %add3A_461, %get3A_516 : vector<16xf32>
      %add3A_518 = arith.constant 7 : i32
      %add3A_519 = arith.addi %mul3A_90, %add3A_518 : i32
      %get3A_520 = arith.index_cast %add3A_519 : i32 to index
      %get3A_521 = arith.constant 48 : index
      %get3A_522 = tpu.vector_load %arg6[%get3A_520, %get3A_521] {strides = array<i32>} : memref<640x128xf32, #tpu.memory_space<vmem>>, vector<1x16xf32>,
      %get3A_523 = vector.shape_cast %get3A_522 : vector<1x16xf32> to vector<16xf32>
      %add3A_524 = arith.addf %add3A_468, %get3A_523 : vector<16xf32>
      %add3A_525 = arith.constant 7 : i32
      %add3A_526 = arith.addi %mul3A_90, %add3A_525 : i32
      %get3A_527 = arith.index_cast %add3A_526 : i32 to index
      %get3A_528 = arith.constant 64 : index
      %get3A_529 = tpu.vector_load %arg6[%get3A_527, %get3A_528] {strides = array<i32>} : memref<640x128xf32, #tpu.memory_space<vmem>>, vector<1x16xf32>,
      %get3A_530 = vector.shape_cast %get3A_529 : vector<1x16xf32> to vector<16xf32>
      %add3A_531 = arith.addf %add3A_475, %get3A_530 : vector<16xf32>
      %add3A_532 = arith.constant 7 : i32
      %add3A_533 = arith.addi %mul3A_90, %add3A_532 : i32
      %get3A_534 = arith.index_cast %add3A_533 : i32 to index
      %get3A_535 = arith.constant 80 : index
      %get3A_536 = tpu.vector_load %arg6[%get3A_534, %get3A_535] {strides = array<i32>} : memref<640x128xf32, #tpu.memory_space<vmem>>, vector<1x16xf32>,
      %get3A_537 = vector.shape_cast %get3A_536 : vector<1x16xf32> to vector<16xf32>
      %add3A_538 = arith.addf %add3A_482, %get3A_537 : vector<16xf32>
      %add3A_539 = arith.constant 7 : i32
      %add3A_540 = arith.addi %mul3A_90, %add3A_539 : i32
      %get3A_541 = arith.index_cast %add3A_540 : i32 to index
      %get3A_542 = arith.constant 96 : index
      %get3A_543 = tpu.vector_load %arg6[%get3A_541, %get3A_542] {strides = array<i32>} : memref<640x128xf32, #tpu.memory_space<vmem>>, vector<1x16xf32>,
      %get3A_544 = vector.shape_cast %get3A_543 : vector<1x16xf32> to vector<16xf32>
      %add3A_545 = arith.addf %add3A_489, %get3A_544 : vector<16xf32>
      %add3A_546 = arith.constant 7 : i32
      %add3A_547 = arith.addi %mul3A_90, %add3A_546 : i32
      %get3A_548 = arith.index_cast %add3A_547 : i32 to index
      %get3A_549 = arith.constant 112 : index
      %get3A_550 = tpu.vector_load %arg6[%get3A_548, %get3A_549] {strides = array<i32>} : memref<640x128xf32, #tpu.memory_space<vmem>>, vector<1x16xf32>,
      %get3A_551 = vector.shape_cast %get3A_550 : vector<1x16xf32> to vector<16xf32>
      %add3A_552 = arith.addf %add3A_496, %get3A_551 : vector<16xf32>
      %add3A_553 = arith.constant 8 : i32
      %add3A_554 = arith.addi %mul3A_90, %add3A_553 : i32
      %get3A_555 = arith.index_cast %add3A_554 : i32 to index
      %get3A_556 = arith.constant 0 : index
      %get3A_557 = tpu.vector_load %arg6[%get3A_555, %get3A_556] {strides = array<i32>} : memref<640x128xf32, #tpu.memory_space<vmem>>, vector<1x16xf32>,
      %get3A_558 = vector.shape_cast %get3A_557 : vector<1x16xf32> to vector<16xf32>
      %add3A_559 = arith.addf %add3A_503, %get3A_558 : vector<16xf32>
      %add3A_560 = arith.constant 8 : i32
      %add3A_561 = arith.addi %mul3A_90, %add3A_560 : i32
      %get3A_562 = arith.index_cast %add3A_561 : i32 to index
      %get3A_563 = arith.constant 16 : index
      %get3A_564 = tpu.vector_load %arg6[%get3A_562, %get3A_563] {strides = array<i32>} : memref<640x128xf32, #tpu.memory_space<vmem>>, vector<1x16xf32>,
      %get3A_565 = vector.shape_cast %get3A_564 : vector<1x16xf32> to vector<16xf32>
      %add3A_566 = arith.addf %add3A_510, %get3A_565 : vector<16xf32>
      %add3A_567 = arith.constant 8 : i32
      %add3A_568 = arith.addi %mul3A_90, %add3A_567 : i32
      %get3A_569 = arith.index_cast %add3A_568 : i32 to index
      %get3A_570 = arith.constant 32 : index
      %get3A_571 = tpu.vector_load %arg6[%get3A_569, %get3A_570] {strides = array<i32>} : memref<640x128xf32, #tpu.memory_space<vmem>>, vector<1x16xf32>,
      %get3A_572 = vector.shape_cast %get3A_571 : vector<1x16xf32> to vector<16xf32>
      %add3A_573 = arith.addf %add3A_517, %get3A_572 : vector<16xf32>
      %add3A_574 = arith.constant 8 : i32
      %add3A_575 = arith.addi %mul3A_90, %add3A_574 : i32
      %get3A_576 = arith.index_cast %add3A_575 : i32 to index
      %get3A_577 = arith.constant 48 : index
      %get3A_578 = tpu.vector_load %arg6[%get3A_576, %get3A_577] {strides = array<i32>} : memref<640x128xf32, #tpu.memory_space<vmem>>, vector<1x16xf32>,
      %get3A_579 = vector.shape_cast %get3A_578 : vector<1x16xf32> to vector<16xf32>
      %add3A_580 = arith.addf %add3A_524, %get3A_579 : vector<16xf32>
      %add3A_581 = arith.constant 8 : i32
      %add3A_582 = arith.addi %mul3A_90, %add3A_581 : i32
      %get3A_583 = arith.index_cast %add3A_582 : i32 to index
      %get3A_584 = arith.constant 64 : index
      %get3A_585 = tpu.vector_load %arg6[%get3A_583, %get3A_584] {strides = array<i32>} : memref<640x128xf32, #tpu.memory_space<vmem>>, vector<1x16xf32>,
      %get3A_586 = vector.shape_cast %get3A_585 : vector<1x16xf32> to vector<16xf32>
      %add3A_587 = arith.addf %add3A_531, %get3A_586 : vector<16xf32>
      %add3A_588 = arith.constant 8 : i32
      %add3A_589 = arith.addi %mul3A_90, %add3A_588 : i32
      %get3A_590 = arith.index_cast %add3A_589 : i32 to index
      %get3A_591 = arith.constant 80 : index
      %get3A_592 = tpu.vector_load %arg6[%get3A_590, %get3A_591] {strides = array<i32>} : memref<640x128xf32, #tpu.memory_space<vmem>>, vector<1x16xf32>,
      %get3A_593 = vector.shape_cast %get3A_592 : vector<1x16xf32> to vector<16xf32>
      %add3A_594 = arith.addf %add3A_538, %get3A_593 : vector<16xf32>
      %add3A_595 = arith.constant 8 : i32
      %add3A_596 = arith.addi %mul3A_90, %add3A_595 : i32
      %get3A_597 = arith.index_cast %add3A_596 : i32 to index
      %get3A_598 = arith.constant 96 : index
      %get3A_599 = tpu.vector_load %arg6[%get3A_597, %get3A_598] {strides = array<i32>} : memref<640x128xf32, #tpu.memory_space<vmem>>, vector<1x16xf32>,
      %get3A_600 = vector.shape_cast %get3A_599 : vector<1x16xf32> to vector<16xf32>
      %add3A_601 = arith.addf %add3A_545, %get3A_600 : vector<16xf32>
      %add3A_602 = arith.constant 8 : i32
      %add3A_603 = arith.addi %mul3A_90, %add3A_602 : i32
      %get3A_604 = arith.index_cast %add3A_603 : i32 to index
      %get3A_605 = arith.constant 112 : index
      %get3A_606 = tpu.vector_load %arg6[%get3A_604, %get3A_605] {strides = array<i32>} : memref<640x128xf32, #tpu.memory_space<vmem>>, vector<1x16xf32>,
      %get3A_607 = vector.shape_cast %get3A_606 : vector<1x16xf32> to vector<16xf32>
      %add3A_608 = arith.addf %add3A_552, %get3A_607 : vector<16xf32>
      %add3A_609 = arith.constant 9 : i32
      %add3A_610 = arith.addi %mul3A_90, %add3A_609 : i32
      %get3A_611 = arith.index_cast %add3A_610 : i32 to index
      %get3A_612 = arith.constant 0 : index
      %get3A_613 = tpu.vector_load %arg6[%get3A_611, %get3A_612] {strides = array<i32>} : memref<640x128xf32, #tpu.memory_space<vmem>>, vector<1x16xf32>,
      %get3A_614 = vector.shape_cast %get3A_613 : vector<1x16xf32> to vector<16xf32>
      %add3A_615 = arith.addf %add3A_559, %get3A_614 : vector<16xf32>
      %add3A_616 = arith.constant 9 : i32
      %add3A_617 = arith.addi %mul3A_90, %add3A_616 : i32
      %get3A_618 = arith.index_cast %add3A_617 : i32 to index
      %get3A_619 = arith.constant 16 : index
      %get3A_620 = tpu.vector_load %arg6[%get3A_618, %get3A_619] {strides = array<i32>} : memref<640x128xf32, #tpu.memory_space<vmem>>, vector<1x16xf32>,
      %get3A_621 = vector.shape_cast %get3A_620 : vector<1x16xf32> to vector<16xf32>
      %add3A_622 = arith.addf %add3A_566, %get3A_621 : vector<16xf32>
      %add3A_623 = arith.constant 9 : i32
      %add3A_624 = arith.addi %mul3A_90, %add3A_623 : i32
      %get3A_625 = arith.index_cast %add3A_624 : i32 to index
      %get3A_626 = arith.constant 32 : index
      %get3A_627 = tpu.vector_load %arg6[%get3A_625, %get3A_626] {strides = array<i32>} : memref<640x128xf32, #tpu.memory_space<vmem>>, vector<1x16xf32>,
      %get3A_628 = vector.shape_cast %get3A_627 : vector<1x16xf32> to vector<16xf32>
      %add3A_629 = arith.addf %add3A_573, %get3A_628 : vector<16xf32>
      %add3A_630 = arith.constant 9 : i32
      %add3A_631 = arith.addi %mul3A_90, %add3A_630 : i32
      %get3A_632 = arith.index_cast %add3A_631 : i32 to index
      %get3A_633 = arith.constant 48 : index
      %get3A_634 = tpu.vector_load %arg6[%get3A_632, %get3A_633] {strides = array<i32>} : memref<640x128xf32, #tpu.memory_space<vmem>>, vector<1x16xf32>,
      %get3A_635 = vector.shape_cast %get3A_634 : vector<1x16xf32> to vector<16xf32>
      %add3A_636 = arith.addf %add3A_580, %get3A_635 : vector<16xf32>
      %add3A_637 = arith.constant 9 : i32
      %add3A_638 = arith.addi %mul3A_90, %add3A_637 : i32
      %get3A_639 = arith.index_cast %add3A_638 : i32 to index
      %get3A_640 = arith.constant 64 : index
      %get3A_641 = tpu.vector_load %arg6[%get3A_639, %get3A_640] {strides = array<i32>} : memref<640x128xf32, #tpu.memory_space<vmem>>, vector<1x16xf32>,
      %get3A_642 = vector.shape_cast %get3A_641 : vector<1x16xf32> to vector<16xf32>
      %add3A_643 = arith.addf %add3A_587, %get3A_642 : vector<16xf32>
      %add3A_644 = arith.constant 9 : i32
      %add3A_645 = arith.addi %mul3A_90, %add3A_644 : i32
      %get3A_646 = arith.index_cast %add3A_645 : i32 to index
      %get3A_647 = arith.constant 80 : index
      %get3A_648 = tpu.vector_load %arg6[%get3A_646, %get3A_647] {strides = array<i32>} : memref<640x128xf32, #tpu.memory_space<vmem>>, vector<1x16xf32>,
      %get3A_649 = vector.shape_cast %get3A_648 : vector<1x16xf32> to vector<16xf32>
      %add3A_650 = arith.addf %add3A_594, %get3A_649 : vector<16xf32>
      %add3A_651 = arith.constant 9 : i32
      %add3A_652 = arith.addi %mul3A_90, %add3A_651 : i32
      %get3A_653 = arith.index_cast %add3A_652 : i32 to index
      %get3A_654 = arith.constant 96 : index
      %get3A_655 = tpu.vector_load %arg6[%get3A_653, %get3A_654] {strides = array<i32>} : memref<640x128xf32, #tpu.memory_space<vmem>>, vector<1x16xf32>,
      %get3A_656 = vector.shape_cast %get3A_655 : vector<1x16xf32> to vector<16xf32>
      %add3A_657 = arith.addf %add3A_601, %get3A_656 : vector<16xf32>
      %add3A_658 = arith.constant 9 : i32
      %add3A_659 = arith.addi %mul3A_90, %add3A_658 : i32
      %get3A_660 = arith.index_cast %add3A_659 : i32 to index
      %get3A_661 = arith.constant 112 : index
      %get3A_662 = tpu.vector_load %arg6[%get3A_660, %get3A_661] {strides = array<i32>} : memref<640x128xf32, #tpu.memory_space<vmem>>, vector<1x16xf32>,
      %get3A_663 = vector.shape_cast %get3A_662 : vector<1x16xf32> to vector<16xf32>
      %add3A_664 = arith.addf %add3A_608, %get3A_663 : vector<16xf32>
      %add3A_665 = arith.constant 10 : i32
      %add3A_666 = arith.addi %mul3A_90, %add3A_665 : i32
      %get3A_667 = arith.index_cast %add3A_666 : i32 to index
      %get3A_668 = arith.constant 0 : index
      %get3A_669 = tpu.vector_load %arg6[%get3A_667, %get3A_668] {strides = array<i32>} : memref<640x128xf32, #tpu.memory_space<vmem>>, vector<1x16xf32>,
      %get3A_670 = vector.shape_cast %get3A_669 : vector<1x16xf32> to vector<16xf32>
      %add3A_671 = arith.addf %add3A_615, %get3A_670 : vector<16xf32>
      %add3A_672 = arith.constant 10 : i32
      %add3A_673 = arith.addi %mul3A_90, %add3A_672 : i32
      %get3A_674 = arith.index_cast %add3A_673 : i32 to index
      %get3A_675 = arith.constant 16 : index
      %get3A_676 = tpu.vector_load %arg6[%get3A_674, %get3A_675] {strides = array<i32>} : memref<640x128xf32, #tpu.memory_space<vmem>>, vector<1x16xf32>,
      %get3A_677 = vector.shape_cast %get3A_676 : vector<1x16xf32> to vector<16xf32>
      %add3A_678 = arith.addf %add3A_622, %get3A_677 : vector<16xf32>
      %add3A_679 = arith.constant 10 : i32
      %add3A_680 = arith.addi %mul3A_90, %add3A_679 : i32
      %get3A_681 = arith.index_cast %add3A_680 : i32 to index
      %get3A_682 = arith.constant 32 : index
      %get3A_683 = tpu.vector_load %arg6[%get3A_681, %get3A_682] {strides = array<i32>} : memref<640x128xf32, #tpu.memory_space<vmem>>, vector<1x16xf32>,
      %get3A_684 = vector.shape_cast %get3A_683 : vector<1x16xf32> to vector<16xf32>
      %add3A_685 = arith.addf %add3A_629, %get3A_684 : vector<16xf32>
      %add3A_686 = arith.constant 10 : i32
      %add3A_687 = arith.addi %mul3A_90, %add3A_686 : i32
      %get3A_688 = arith.index_cast %add3A_687 : i32 to index
      %get3A_689 = arith.constant 48 : index
      %get3A_690 = tpu.vector_load %arg6[%get3A_688, %get3A_689] {strides = array<i32>} : memref<640x128xf32, #tpu.memory_space<vmem>>, vector<1x16xf32>,
      %get3A_691 = vector.shape_cast %get3A_690 : vector<1x16xf32> to vector<16xf32>
      %add3A_692 = arith.addf %add3A_636, %get3A_691 : vector<16xf32>
      %add3A_693 = arith.constant 10 : i32
      %add3A_694 = arith.addi %mul3A_90, %add3A_693 : i32
      %get3A_695 = arith.index_cast %add3A_694 : i32 to index
      %get3A_696 = arith.constant 64 : index
      %get3A_697 = tpu.vector_load %arg6[%get3A_695, %get3A_696] {strides = array<i32>} : memref<640x128xf32, #tpu.memory_space<vmem>>, vector<1x16xf32>,
      %get3A_698 = vector.shape_cast %get3A_697 : vector<1x16xf32> to vector<16xf32>
      %add3A_699 = arith.addf %add3A_643, %get3A_698 : vector<16xf32>
      %add3A_700 = arith.constant 10 : i32
      %add3A_701 = arith.addi %mul3A_90, %add3A_700 : i32
      %get3A_702 = arith.index_cast %add3A_701 : i32 to index
      %get3A_703 = arith.constant 80 : index
      %get3A_704 = tpu.vector_load %arg6[%get3A_702, %get3A_703] {strides = array<i32>} : memref<640x128xf32, #tpu.memory_space<vmem>>, vector<1x16xf32>,
      %get3A_705 = vector.shape_cast %get3A_704 : vector<1x16xf32> to vector<16xf32>
      %add3A_706 = arith.addf %add3A_650, %get3A_705 : vector<16xf32>
      %add3A_707 = arith.constant 10 : i32
      %add3A_708 = arith.addi %mul3A_90, %add3A_707 : i32
      %get3A_709 = arith.index_cast %add3A_708 : i32 to index
      %get3A_710 = arith.constant 96 : index
      %get3A_711 = tpu.vector_load %arg6[%get3A_709, %get3A_710] {strides = array<i32>} : memref<640x128xf32, #tpu.memory_space<vmem>>, vector<1x16xf32>,
      %get3A_712 = vector.shape_cast %get3A_711 : vector<1x16xf32> to vector<16xf32>
      %add3A_713 = arith.addf %add3A_657, %get3A_712 : vector<16xf32>
      %add3A_714 = arith.constant 10 : i32
      %add3A_715 = arith.addi %mul3A_90, %add3A_714 : i32
      %get3A_716 = arith.index_cast %add3A_715 : i32 to index
      %get3A_717 = arith.constant 112 : index
      %get3A_718 = tpu.vector_load %arg6[%get3A_716, %get3A_717] {strides = array<i32>} : memref<640x128xf32, #tpu.memory_space<vmem>>, vector<1x16xf32>,
      %get3A_719 = vector.shape_cast %get3A_718 : vector<1x16xf32> to vector<16xf32>
      %add3A_720 = arith.addf %add3A_664, %get3A_719 : vector<16xf32>
      %add3A_721 = arith.constant 11 : i32
      %add3A_722 = arith.addi %mul3A_90, %add3A_721 : i32
      %get3A_723 = arith.index_cast %add3A_722 : i32 to index
      %get3A_724 = arith.constant 0 : index
      %get3A_725 = tpu.vector_load %arg6[%get3A_723, %get3A_724] {strides = array<i32>} : memref<640x128xf32, #tpu.memory_space<vmem>>, vector<1x16xf32>,
      %get3A_726 = vector.shape_cast %get3A_725 : vector<1x16xf32> to vector<16xf32>
      %add3A_727 = arith.addf %add3A_671, %get3A_726 : vector<16xf32>
      %add3A_728 = arith.constant 11 : i32
      %add3A_729 = arith.addi %mul3A_90, %add3A_728 : i32
      %get3A_730 = arith.index_cast %add3A_729 : i32 to index
      %get3A_731 = arith.constant 16 : index
      %get3A_732 = tpu.vector_load %arg6[%get3A_730, %get3A_731] {strides = array<i32>} : memref<640x128xf32, #tpu.memory_space<vmem>>, vector<1x16xf32>,
      %get3A_733 = vector.shape_cast %get3A_732 : vector<1x16xf32> to vector<16xf32>
      %add3A_734 = arith.addf %add3A_678, %get3A_733 : vector<16xf32>
      %add3A_735 = arith.constant 11 : i32
      %add3A_736 = arith.addi %mul3A_90, %add3A_735 : i32
      %get3A_737 = arith.index_cast %add3A_736 : i32 to index
      %get3A_738 = arith.constant 32 : index
      %get3A_739 = tpu.vector_load %arg6[%get3A_737, %get3A_738] {strides = array<i32>} : memref<640x128xf32, #tpu.memory_space<vmem>>, vector<1x16xf32>,
      %get3A_740 = vector.shape_cast %get3A_739 : vector<1x16xf32> to vector<16xf32>
      %add3A_741 = arith.addf %add3A_685, %get3A_740 : vector<16xf32>
      %add3A_742 = arith.constant 11 : i32
      %add3A_743 = arith.addi %mul3A_90, %add3A_742 : i32
      %get3A_744 = arith.index_cast %add3A_743 : i32 to index
      %get3A_745 = arith.constant 48 : index
      %get3A_746 = tpu.vector_load %arg6[%get3A_744, %get3A_745] {strides = array<i32>} : memref<640x128xf32, #tpu.memory_space<vmem>>, vector<1x16xf32>,
      %get3A_747 = vector.shape_cast %get3A_746 : vector<1x16xf32> to vector<16xf32>
      %add3A_748 = arith.addf %add3A_692, %get3A_747 : vector<16xf32>
      %add3A_749 = arith.constant 11 : i32
      %add3A_750 = arith.addi %mul3A_90, %add3A_749 : i32
      %get3A_751 = arith.index_cast %add3A_750 : i32 to index
      %get3A_752 = arith.constant 64 : index
      %get3A_753 = tpu.vector_load %arg6[%get3A_751, %get3A_752] {strides = array<i32>} : memref<640x128xf32, #tpu.memory_space<vmem>>, vector<1x16xf32>,
      %get3A_754 = vector.shape_cast %get3A_753 : vector<1x16xf32> to vector<16xf32>
      %add3A_755 = arith.addf %add3A_699, %get3A_754 : vector<16xf32>
      %add3A_756 = arith.constant 11 : i32
      %add3A_757 = arith.addi %mul3A_90, %add3A_756 : i32
      %get3A_758 = arith.index_cast %add3A_757 : i32 to index
      %get3A_759 = arith.constant 80 : index
      %get3A_760 = tpu.vector_load %arg6[%get3A_758, %get3A_759] {strides = array<i32>} : memref<640x128xf32, #tpu.memory_space<vmem>>, vector<1x16xf32>,
      %get3A_761 = vector.shape_cast %get3A_760 : vector<1x16xf32> to vector<16xf32>
      %add3A_762 = arith.addf %add3A_706, %get3A_761 : vector<16xf32>
      %add3A_763 = arith.constant 11 : i32
      %add3A_764 = arith.addi %mul3A_90, %add3A_763 : i32
      %get3A_765 = arith.index_cast %add3A_764 : i32 to index
      %get3A_766 = arith.constant 96 : index
      %get3A_767 = tpu.vector_load %arg6[%get3A_765, %get3A_766] {strides = array<i32>} : memref<640x128xf32, #tpu.memory_space<vmem>>, vector<1x16xf32>,
      %get3A_768 = vector.shape_cast %get3A_767 : vector<1x16xf32> to vector<16xf32>
      %add3A_769 = arith.addf %add3A_713, %get3A_768 : vector<16xf32>
      %add3A_770 = arith.constant 11 : i32
      %add3A_771 = arith.addi %mul3A_90, %add3A_770 : i32
      %get3A_772 = arith.index_cast %add3A_771 : i32 to index
      %get3A_773 = arith.constant 112 : index
      %get3A_774 = tpu.vector_load %arg6[%get3A_772, %get3A_773] {strides = array<i32>} : memref<640x128xf32, #tpu.memory_space<vmem>>, vector<1x16xf32>,
      %get3A_775 = vector.shape_cast %get3A_774 : vector<1x16xf32> to vector<16xf32>
      %add3A_776 = arith.addf %add3A_720, %get3A_775 : vector<16xf32>
      %add3A_777 = arith.constant 12 : i32
      %add3A_778 = arith.addi %mul3A_90, %add3A_777 : i32
      %get3A_779 = arith.index_cast %add3A_778 : i32 to index
      %get3A_780 = arith.constant 0 : index
      %get3A_781 = tpu.vector_load %arg6[%get3A_779, %get3A_780] {strides = array<i32>} : memref<640x128xf32, #tpu.memory_space<vmem>>, vector<1x16xf32>,
      %get3A_782 = vector.shape_cast %get3A_781 : vector<1x16xf32> to vector<16xf32>
      %add3A_783 = arith.addf %add3A_727, %get3A_782 : vector<16xf32>
      %add3A_784 = arith.constant 12 : i32
      %add3A_785 = arith.addi %mul3A_90, %add3A_784 : i32
      %get3A_786 = arith.index_cast %add3A_785 : i32 to index
      %get3A_787 = arith.constant 16 : index
      %get3A_788 = tpu.vector_load %arg6[%get3A_786, %get3A_787] {strides = array<i32>} : memref<640x128xf32, #tpu.memory_space<vmem>>, vector<1x16xf32>,
      %get3A_789 = vector.shape_cast %get3A_788 : vector<1x16xf32> to vector<16xf32>
      %add3A_790 = arith.addf %add3A_734, %get3A_789 : vector<16xf32>
      %add3A_791 = arith.constant 12 : i32
      %add3A_792 = arith.addi %mul3A_90, %add3A_791 : i32
      %get3A_793 = arith.index_cast %add3A_792 : i32 to index
      %get3A_794 = arith.constant 32 : index
      %get3A_795 = tpu.vector_load %arg6[%get3A_793, %get3A_794] {strides = array<i32>} : memref<640x128xf32, #tpu.memory_space<vmem>>, vector<1x16xf32>,
      %get3A_796 = vector.shape_cast %get3A_795 : vector<1x16xf32> to vector<16xf32>
      %add3A_797 = arith.addf %add3A_741, %get3A_796 : vector<16xf32>
      %add3A_798 = arith.constant 12 : i32
      %add3A_799 = arith.addi %mul3A_90, %add3A_798 : i32
      %get3A_800 = arith.index_cast %add3A_799 : i32 to index
      %get3A_801 = arith.constant 48 : index
      %get3A_802 = tpu.vector_load %arg6[%get3A_800, %get3A_801] {strides = array<i32>} : memref<640x128xf32, #tpu.memory_space<vmem>>, vector<1x16xf32>,
      %get3A_803 = vector.shape_cast %get3A_802 : vector<1x16xf32> to vector<16xf32>
      %add3A_804 = arith.addf %add3A_748, %get3A_803 : vector<16xf32>
      %add3A_805 = arith.constant 12 : i32
      %add3A_806 = arith.addi %mul3A_90, %add3A_805 : i32
      %get3A_807 = arith.index_cast %add3A_806 : i32 to index
      %get3A_808 = arith.constant 64 : index
      %get3A_809 = tpu.vector_load %arg6[%get3A_807, %get3A_808] {strides = array<i32>} : memref<640x128xf32, #tpu.memory_space<vmem>>, vector<1x16xf32>,
      %get3A_810 = vector.shape_cast %get3A_809 : vector<1x16xf32> to vector<16xf32>
      %add3A_811 = arith.addf %add3A_755, %get3A_810 : vector<16xf32>
      %add3A_812 = arith.constant 12 : i32
      %add3A_813 = arith.addi %mul3A_90, %add3A_812 : i32
      %get3A_814 = arith.index_cast %add3A_813 : i32 to index
      %get3A_815 = arith.constant 80 : index
      %get3A_816 = tpu.vector_load %arg6[%get3A_814, %get3A_815] {strides = array<i32>} : memref<640x128xf32, #tpu.memory_space<vmem>>, vector<1x16xf32>,
      %get3A_817 = vector.shape_cast %get3A_816 : vector<1x16xf32> to vector<16xf32>
      %add3A_818 = arith.addf %add3A_762, %get3A_817 : vector<16xf32>
      %add3A_819 = arith.constant 12 : i32
      %add3A_820 = arith.addi %mul3A_90, %add3A_819 : i32
      %get3A_821 = arith.index_cast %add3A_820 : i32 to index
      %get3A_822 = arith.constant 96 : index
      %get3A_823 = tpu.vector_load %arg6[%get3A_821, %get3A_822] {strides = array<i32>} : memref<640x128xf32, #tpu.memory_space<vmem>>, vector<1x16xf32>,
      %get3A_824 = vector.shape_cast %get3A_823 : vector<1x16xf32> to vector<16xf32>
      %add3A_825 = arith.addf %add3A_769, %get3A_824 : vector<16xf32>
      %add3A_826 = arith.constant 12 : i32
      %add3A_827 = arith.addi %mul3A_90, %add3A_826 : i32
      %get3A_828 = arith.index_cast %add3A_827 : i32 to index
      %get3A_829 = arith.constant 112 : index
      %get3A_830 = tpu.vector_load %arg6[%get3A_828, %get3A_829] {strides = array<i32>} : memref<640x128xf32, #tpu.memory_space<vmem>>, vector<1x16xf32>,
      %get3A_831 = vector.shape_cast %get3A_830 : vector<1x16xf32> to vector<16xf32>
      %add3A_832 = arith.addf %add3A_776, %get3A_831 : vector<16xf32>
      %add3A_833 = arith.constant 13 : i32
      %add3A_834 = arith.addi %mul3A_90, %add3A_833 : i32
      %get3A_835 = arith.index_cast %add3A_834 : i32 to index
      %get3A_836 = arith.constant 0 : index
      %get3A_837 = tpu.vector_load %arg6[%get3A_835, %get3A_836] {strides = array<i32>} : memref<640x128xf32, #tpu.memory_space<vmem>>, vector<1x16xf32>,
      %get3A_838 = vector.shape_cast %get3A_837 : vector<1x16xf32> to vector<16xf32>
      %add3A_839 = arith.addf %add3A_783, %get3A_838 : vector<16xf32>
      %add3A_840 = arith.constant 13 : i32
      %add3A_841 = arith.addi %mul3A_90, %add3A_840 : i32
      %get3A_842 = arith.index_cast %add3A_841 : i32 to index
      %get3A_843 = arith.constant 16 : index
      %get3A_844 = tpu.vector_load %arg6[%get3A_842, %get3A_843] {strides = array<i32>} : memref<640x128xf32, #tpu.memory_space<vmem>>, vector<1x16xf32>,
      %get3A_845 = vector.shape_cast %get3A_844 : vector<1x16xf32> to vector<16xf32>
      %add3A_846 = arith.addf %add3A_790, %get3A_845 : vector<16xf32>
      %add3A_847 = arith.constant 13 : i32
      %add3A_848 = arith.addi %mul3A_90, %add3A_847 : i32
      %get3A_849 = arith.index_cast %add3A_848 : i32 to index
      %get3A_850 = arith.constant 32 : index
      %get3A_851 = tpu.vector_load %arg6[%get3A_849, %get3A_850] {strides = array<i32>} : memref<640x128xf32, #tpu.memory_space<vmem>>, vector<1x16xf32>,
      %get3A_852 = vector.shape_cast %get3A_851 : vector<1x16xf32> to vector<16xf32>
      %add3A_853 = arith.addf %add3A_797, %get3A_852 : vector<16xf32>
      %add3A_854 = arith.constant 13 : i32
      %add3A_855 = arith.addi %mul3A_90, %add3A_854 : i32
      %get3A_856 = arith.index_cast %add3A_855 : i32 to index
      %get3A_857 = arith.constant 48 : index
      %get3A_858 = tpu.vector_load %arg6[%get3A_856, %get3A_857] {strides = array<i32>} : memref<640x128xf32, #tpu.memory_space<vmem>>, vector<1x16xf32>,
      %get3A_859 = vector.shape_cast %get3A_858 : vector<1x16xf32> to vector<16xf32>
      %add3A_860 = arith.addf %add3A_804, %get3A_859 : vector<16xf32>
      %add3A_861 = arith.constant 13 : i32
      %add3A_862 = arith.addi %mul3A_90, %add3A_861 : i32
      %get3A_863 = arith.index_cast %add3A_862 : i32 to index
      %get3A_864 = arith.constant 64 : index
      %get3A_865 = tpu.vector_load %arg6[%get3A_863, %get3A_864] {strides = array<i32>} : memref<640x128xf32, #tpu.memory_space<vmem>>, vector<1x16xf32>,
      %get3A_866 = vector.shape_cast %get3A_865 : vector<1x16xf32> to vector<16xf32>
      %add3A_867 = arith.addf %add3A_811, %get3A_866 : vector<16xf32>
      %add3A_868 = arith.constant 13 : i32
      %add3A_869 = arith.addi %mul3A_90, %add3A_868 : i32
      %get3A_870 = arith.index_cast %add3A_869 : i32 to index
      %get3A_871 = arith.constant 80 : index
      %get3A_872 = tpu.vector_load %arg6[%get3A_870, %get3A_871] {strides = array<i32>} : memref<640x128xf32, #tpu.memory_space<vmem>>, vector<1x16xf32>,
      %get3A_873 = vector.shape_cast %get3A_872 : vector<1x16xf32> to vector<16xf32>
      %add3A_874 = arith.addf %add3A_818, %get3A_873 : vector<16xf32>
      %add3A_875 = arith.constant 13 : i32
      %add3A_876 = arith.addi %mul3A_90, %add3A_875 : i32
      %get3A_877 = arith.index_cast %add3A_876 : i32 to index
      %get3A_878 = arith.constant 96 : index
      %get3A_879 = tpu.vector_load %arg6[%get3A_877, %get3A_878] {strides = array<i32>} : memref<640x128xf32, #tpu.memory_space<vmem>>, vector<1x16xf32>,
      %get3A_880 = vector.shape_cast %get3A_879 : vector<1x16xf32> to vector<16xf32>
      %add3A_881 = arith.addf %add3A_825, %get3A_880 : vector<16xf32>
      %add3A_882 = arith.constant 13 : i32
      %add3A_883 = arith.addi %mul3A_90, %add3A_882 : i32
      %get3A_884 = arith.index_cast %add3A_883 : i32 to index
      %get3A_885 = arith.constant 112 : index
      %get3A_886 = tpu.vector_load %arg6[%get3A_884, %get3A_885] {strides = array<i32>} : memref<640x128xf32, #tpu.memory_space<vmem>>, vector<1x16xf32>,
      %get3A_887 = vector.shape_cast %get3A_886 : vector<1x16xf32> to vector<16xf32>
      %add3A_888 = arith.addf %add3A_832, %get3A_887 : vector<16xf32>
      %add3A_889 = arith.constant 14 : i32
      %add3A_890 = arith.addi %mul3A_90, %add3A_889 : i32
      %get3A_891 = arith.index_cast %add3A_890 : i32 to index
      %get3A_892 = arith.constant 0 : index
      %get3A_893 = tpu.vector_load %arg6[%get3A_891, %get3A_892] {strides = array<i32>} : memref<640x128xf32, #tpu.memory_space<vmem>>, vector<1x16xf32>,
      %get3A_894 = vector.shape_cast %get3A_893 : vector<1x16xf32> to vector<16xf32>
      %add3A_895 = arith.addf %add3A_839, %get3A_894 : vector<16xf32>
      %add3A_896 = arith.constant 14 : i32
      %add3A_897 = arith.addi %mul3A_90, %add3A_896 : i32
      %get3A_898 = arith.index_cast %add3A_897 : i32 to index
      %get3A_899 = arith.constant 16 : index
      %get3A_900 = tpu.vector_load %arg6[%get3A_898, %get3A_899] {strides = array<i32>} : memref<640x128xf32, #tpu.memory_space<vmem>>, vector<1x16xf32>,
      %get3A_901 = vector.shape_cast %get3A_900 : vector<1x16xf32> to vector<16xf32>
      %add3A_902 = arith.addf %add3A_846, %get3A_901 : vector<16xf32>
      %add3A_903 = arith.constant 14 : i32
      %add3A_904 = arith.addi %mul3A_90, %add3A_903 : i32
      %get3A_905 = arith.index_cast %add3A_904 : i32 to index
      %get3A_906 = arith.constant 32 : index
      %get3A_907 = tpu.vector_load %arg6[%get3A_905, %get3A_906] {strides = array<i32>} : memref<640x128xf32, #tpu.memory_space<vmem>>, vector<1x16xf32>,
      %get3A_908 = vector.shape_cast %get3A_907 : vector<1x16xf32> to vector<16xf32>
      %add3A_909 = arith.addf %add3A_853, %get3A_908 : vector<16xf32>
      %add3A_910 = arith.constant 14 : i32
      %add3A_911 = arith.addi %mul3A_90, %add3A_910 : i32
      %get3A_912 = arith.index_cast %add3A_911 : i32 to index
      %get3A_913 = arith.constant 48 : index
      %get3A_914 = tpu.vector_load %arg6[%get3A_912, %get3A_913] {strides = array<i32>} : memref<640x128xf32, #tpu.memory_space<vmem>>, vector<1x16xf32>,
      %get3A_915 = vector.shape_cast %get3A_914 : vector<1x16xf32> to vector<16xf32>
      %add3A_916 = arith.addf %add3A_860, %get3A_915 : vector<16xf32>
      %add3A_917 = arith.constant 14 : i32
      %add3A_918 = arith.addi %mul3A_90, %add3A_917 : i32
      %get3A_919 = arith.index_cast %add3A_918 : i32 to index
      %get3A_920 = arith.constant 64 : index
      %get3A_921 = tpu.vector_load %arg6[%get3A_919, %get3A_920] {strides = array<i32>} : memref<640x128xf32, #tpu.memory_space<vmem>>, vector<1x16xf32>,
      %get3A_922 = vector.shape_cast %get3A_921 : vector<1x16xf32> to vector<16xf32>
      %add3A_923 = arith.addf %add3A_867, %get3A_922 : vector<16xf32>
      %add3A_924 = arith.constant 14 : i32
      %add3A_925 = arith.addi %mul3A_90, %add3A_924 : i32
      %get3A_926 = arith.index_cast %add3A_925 : i32 to index
      %get3A_927 = arith.constant 80 : index
      %get3A_928 = tpu.vector_load %arg6[%get3A_926, %get3A_927] {strides = array<i32>} : memref<640x128xf32, #tpu.memory_space<vmem>>, vector<1x16xf32>,
      %get3A_929 = vector.shape_cast %get3A_928 : vector<1x16xf32> to vector<16xf32>
      %add3A_930 = arith.addf %add3A_874, %get3A_929 : vector<16xf32>
      %add3A_931 = arith.constant 14 : i32
      %add3A_932 = arith.addi %mul3A_90, %add3A_931 : i32
      %get3A_933 = arith.index_cast %add3A_932 : i32 to index
      %get3A_934 = arith.constant 96 : index
      %get3A_935 = tpu.vector_load %arg6[%get3A_933, %get3A_934] {strides = array<i32>} : memref<640x128xf32, #tpu.memory_space<vmem>>, vector<1x16xf32>,
      %get3A_936 = vector.shape_cast %get3A_935 : vector<1x16xf32> to vector<16xf32>
      %add3A_937 = arith.addf %add3A_881, %get3A_936 : vector<16xf32>
      %add3A_938 = arith.constant 14 : i32
      %add3A_939 = arith.addi %mul3A_90, %add3A_938 : i32
      %get3A_940 = arith.index_cast %add3A_939 : i32 to index
      %get3A_941 = arith.constant 112 : index
      %get3A_942 = tpu.vector_load %arg6[%get3A_940, %get3A_941] {strides = array<i32>} : memref<640x128xf32, #tpu.memory_space<vmem>>, vector<1x16xf32>,
      %get3A_943 = vector.shape_cast %get3A_942 : vector<1x16xf32> to vector<16xf32>
      %add3A_944 = arith.addf %add3A_888, %get3A_943 : vector<16xf32>
      %add3A_945 = arith.constant 15 : i32
      %add3A_946 = arith.addi %mul3A_90, %add3A_945 : i32
      %get3A_947 = arith.index_cast %add3A_946 : i32 to index
      %get3A_948 = arith.constant 0 : index
      %get3A_949 = tpu.vector_load %arg6[%get3A_947, %get3A_948] {strides = array<i32>} : memref<640x128xf32, #tpu.memory_space<vmem>>, vector<1x16xf32>,
      %get3A_950 = vector.shape_cast %get3A_949 : vector<1x16xf32> to vector<16xf32>
      %add3A_951 = arith.addf %add3A_895, %get3A_950 : vector<16xf32>
      %add3A_952 = arith.constant 15 : i32
      %add3A_953 = arith.addi %mul3A_90, %add3A_952 : i32
      %get3A_954 = arith.index_cast %add3A_953 : i32 to index
      %get3A_955 = arith.constant 16 : index
      %get3A_956 = tpu.vector_load %arg6[%get3A_954, %get3A_955] {strides = array<i32>} : memref<640x128xf32, #tpu.memory_space<vmem>>, vector<1x16xf32>,
      %get3A_957 = vector.shape_cast %get3A_956 : vector<1x16xf32> to vector<16xf32>
      %add3A_958 = arith.addf %add3A_902, %get3A_957 : vector<16xf32>
      %add3A_959 = arith.constant 15 : i32
      %add3A_960 = arith.addi %mul3A_90, %add3A_959 : i32
      %get3A_961 = arith.index_cast %add3A_960 : i32 to index
      %get3A_962 = arith.constant 32 : index
      %get3A_963 = tpu.vector_load %arg6[%get3A_961, %get3A_962] {strides = array<i32>} : memref<640x128xf32, #tpu.memory_space<vmem>>, vector<1x16xf32>,
      %get3A_964 = vector.shape_cast %get3A_963 : vector<1x16xf32> to vector<16xf32>
      %add3A_965 = arith.addf %add3A_909, %get3A_964 : vector<16xf32>
      %add3A_966 = arith.constant 15 : i32
      %add3A_967 = arith.addi %mul3A_90, %add3A_966 : i32
      %get3A_968 = arith.index_cast %add3A_967 : i32 to index
      %get3A_969 = arith.constant 48 : index
      %get3A_970 = tpu.vector_load %arg6[%get3A_968, %get3A_969] {strides = array<i32>} : memref<640x128xf32, #tpu.memory_space<vmem>>, vector<1x16xf32>,
      %get3A_971 = vector.shape_cast %get3A_970 : vector<1x16xf32> to vector<16xf32>
      %add3A_972 = arith.addf %add3A_916, %get3A_971 : vector<16xf32>
      %add3A_973 = arith.constant 15 : i32
      %add3A_974 = arith.addi %mul3A_90, %add3A_973 : i32
      %get3A_975 = arith.index_cast %add3A_974 : i32 to index
      %get3A_976 = arith.constant 64 : index
      %get3A_977 = tpu.vector_load %arg6[%get3A_975, %get3A_976] {strides = array<i32>} : memref<640x128xf32, #tpu.memory_space<vmem>>, vector<1x16xf32>,
      %get3A_978 = vector.shape_cast %get3A_977 : vector<1x16xf32> to vector<16xf32>
      %add3A_979 = arith.addf %add3A_923, %get3A_978 : vector<16xf32>
      %add3A_980 = arith.constant 15 : i32
      %add3A_981 = arith.addi %mul3A_90, %add3A_980 : i32
      %get3A_982 = arith.index_cast %add3A_981 : i32 to index
      %get3A_983 = arith.constant 80 : index
      %get3A_984 = tpu.vector_load %arg6[%get3A_982, %get3A_983] {strides = array<i32>} : memref<640x128xf32, #tpu.memory_space<vmem>>, vector<1x16xf32>,
      %get3A_985 = vector.shape_cast %get3A_984 : vector<1x16xf32> to vector<16xf32>
      %add3A_986 = arith.addf %add3A_930, %get3A_985 : vector<16xf32>
      %add3A_987 = arith.constant 15 : i32
      %add3A_988 = arith.addi %mul3A_90, %add3A_987 : i32
      %get3A_989 = arith.index_cast %add3A_988 : i32 to index
      %get3A_990 = arith.constant 96 : index
      %get3A_991 = tpu.vector_load %arg6[%get3A_989, %get3A_990] {strides = array<i32>} : memref<640x128xf32, #tpu.memory_space<vmem>>, vector<1x16xf32>,
      %get3A_992 = vector.shape_cast %get3A_991 : vector<1x16xf32> to vector<16xf32>
      %add3A_993 = arith.addf %add3A_937, %get3A_992 : vector<16xf32>
      %add3A_994 = arith.constant 15 : i32
      %add3A_995 = arith.addi %mul3A_90, %add3A_994 : i32
      %get3A_996 = arith.index_cast %add3A_995 : i32 to index
      %get3A_997 = arith.constant 112 : index
      %get3A_998 = tpu.vector_load %arg6[%get3A_996, %get3A_997] {strides = array<i32>} : memref<640x128xf32, #tpu.memory_space<vmem>>, vector<1x16xf32>,
      %get3A_999 = vector.shape_cast %get3A_998 : vector<1x16xf32> to vector<16xf32>
      %add3A_1000 = arith.addf %add3A_944, %get3A_999 : vector<16xf32>
      %add3A_1001 = arith.constant 16 : i32
      %add3A_1002 = arith.addi %mul3A_90, %add3A_1001 : i32
      %get3A_1003 = arith.index_cast %add3A_1002 : i32 to index
      %get3A_1004 = arith.constant 0 : index
      %get3A_1005 = tpu.vector_load %arg6[%get3A_1003, %get3A_1004] {strides = array<i32>} : memref<640x128xf32, #tpu.memory_space<vmem>>, vector<1x16xf32>,
      %get3A_1006 = vector.shape_cast %get3A_1005 : vector<1x16xf32> to vector<16xf32>
      %add3A_1007 = arith.addf %add3A_951, %get3A_1006 : vector<16xf32>
      %add3A_1008 = arith.constant 16 : i32
      %add3A_1009 = arith.addi %mul3A_90, %add3A_1008 : i32
      %get3A_1010 = arith.index_cast %add3A_1009 : i32 to index
      %get3A_1011 = arith.constant 16 : index
      %get3A_1012 = tpu.vector_load %arg6[%get3A_1010, %get3A_1011] {strides = array<i32>} : memref<640x128xf32, #tpu.memory_space<vmem>>, vector<1x16xf32>,
      %get3A_1013 = vector.shape_cast %get3A_1012 : vector<1x16xf32> to vector<16xf32>
      %add3A_1014 = arith.addf %add3A_958, %get3A_1013 : vector<16xf32>
      %add3A_1015 = arith.constant 16 : i32
      %add3A_1016 = arith.addi %mul3A_90, %add3A_1015 : i32
      %get3A_1017 = arith.index_cast %add3A_1016 : i32 to index
      %get3A_1018 = arith.constant 32 : index
      %get3A_1019 = tpu.vector_load %arg6[%get3A_1017, %get3A_1018] {strides = array<i32>} : memref<640x128xf32, #tpu.memory_space<vmem>>, vector<1x16xf32>,
      %get3A_1020 = vector.shape_cast %get3A_1019 : vector<1x16xf32> to vector<16xf32>
      %add3A_1021 = arith.addf %add3A_965, %get3A_1020 : vector<16xf32>
      %add3A_1022 = arith.constant 16 : i32
      %add3A_1023 = arith.addi %mul3A_90, %add3A_1022 : i32
      %get3A_1024 = arith.index_cast %add3A_1023 : i32 to index
      %get3A_1025 = arith.constant 48 : index
      %get3A_1026 = tpu.vector_load %arg6[%get3A_1024, %get3A_1025] {strides = array<i32>} : memref<640x128xf32, #tpu.memory_space<vmem>>, vector<1x16xf32>,
      %get3A_1027 = vector.shape_cast %get3A_1026 : vector<1x16xf32> to vector<16xf32>
      %add3A_1028 = arith.addf %add3A_972, %get3A_1027 : vector<16xf32>
      %add3A_1029 = arith.constant 16 : i32
      %add3A_1030 = arith.addi %mul3A_90, %add3A_1029 : i32
      %get3A_1031 = arith.index_cast %add3A_1030 : i32 to index
      %get3A_1032 = arith.constant 64 : index
      %get3A_1033 = tpu.vector_load %arg6[%get3A_1031, %get3A_1032] {strides = array<i32>} : memref<640x128xf32, #tpu.memory_space<vmem>>, vector<1x16xf32>,
      %get3A_1034 = vector.shape_cast %get3A_1033 : vector<1x16xf32> to vector<16xf32>
      %add3A_1035 = arith.addf %add3A_979, %get3A_1034 : vector<16xf32>
      %add3A_1036 = arith.constant 16 : i32
      %add3A_1037 = arith.addi %mul3A_90, %add3A_1036 : i32
      %get3A_1038 = arith.index_cast %add3A_1037 : i32 to index
      %get3A_1039 = arith.constant 80 : index
      %get3A_1040 = tpu.vector_load %arg6[%get3A_1038, %get3A_1039] {strides = array<i32>} : memref<640x128xf32, #tpu.memory_space<vmem>>, vector<1x16xf32>,
      %get3A_1041 = vector.shape_cast %get3A_1040 : vector<1x16xf32> to vector<16xf32>
      %add3A_1042 = arith.addf %add3A_986, %get3A_1041 : vector<16xf32>
      %add3A_1043 = arith.constant 16 : i32
      %add3A_1044 = arith.addi %mul3A_90, %add3A_1043 : i32
      %get3A_1045 = arith.index_cast %add3A_1044 : i32 to index
      %get3A_1046 = arith.constant 96 : index
      %get3A_1047 = tpu.vector_load %arg6[%get3A_1045, %get3A_1046] {strides = array<i32>} : memref<640x128xf32, #tpu.memory_space<vmem>>, vector<1x16xf32>,
      %get3A_1048 = vector.shape_cast %get3A_1047 : vector<1x16xf32> to vector<16xf32>
      %add3A_1049 = arith.addf %add3A_993, %get3A_1048 : vector<16xf32>
      %add3A_1050 = arith.constant 16 : i32
      %add3A_1051 = arith.addi %mul3A_90, %add3A_1050 : i32
      %get3A_1052 = arith.index_cast %add3A_1051 : i32 to index
      %get3A_1053 = arith.constant 112 : index
      %get3A_1054 = tpu.vector_load %arg6[%get3A_1052, %get3A_1053] {strides = array<i32>} : memref<640x128xf32, #tpu.memory_space<vmem>>, vector<1x16xf32>,
      %get3A_1055 = vector.shape_cast %get3A_1054 : vector<1x16xf32> to vector<16xf32>
      %add3A_1056 = arith.addf %add3A_1000, %get3A_1055 : vector<16xf32>
      %add3A_1057 = arith.constant 17 : i32
      %add3A_1058 = arith.addi %mul3A_90, %add3A_1057 : i32
      %get3A_1059 = arith.index_cast %add3A_1058 : i32 to index
      %get3A_1060 = arith.constant 0 : index
      %get3A_1061 = tpu.vector_load %arg6[%get3A_1059, %get3A_1060] {strides = array<i32>} : memref<640x128xf32, #tpu.memory_space<vmem>>, vector<1x16xf32>,
      %get3A_1062 = vector.shape_cast %get3A_1061 : vector<1x16xf32> to vector<16xf32>
      %add3A_1063 = arith.addf %add3A_1007, %get3A_1062 : vector<16xf32>
      %add3A_1064 = arith.constant 17 : i32
      %add3A_1065 = arith.addi %mul3A_90, %add3A_1064 : i32
      %get3A_1066 = arith.index_cast %add3A_1065 : i32 to index
      %get3A_1067 = arith.constant 16 : index
      %get3A_1068 = tpu.vector_load %arg6[%get3A_1066, %get3A_1067] {strides = array<i32>} : memref<640x128xf32, #tpu.memory_space<vmem>>, vector<1x16xf32>,
      %get3A_1069 = vector.shape_cast %get3A_1068 : vector<1x16xf32> to vector<16xf32>
      %add3A_1070 = arith.addf %add3A_1014, %get3A_1069 : vector<16xf32>
      %add3A_1071 = arith.constant 17 : i32
      %add3A_1072 = arith.addi %mul3A_90, %add3A_1071 : i32
      %get3A_1073 = arith.index_cast %add3A_1072 : i32 to index
      %get3A_1074 = arith.constant 32 : index
      %get3A_1075 = tpu.vector_load %arg6[%get3A_1073, %get3A_1074] {strides = array<i32>} : memref<640x128xf32, #tpu.memory_space<vmem>>, vector<1x16xf32>,
      %get3A_1076 = vector.shape_cast %get3A_1075 : vector<1x16xf32> to vector<16xf32>
      %add3A_1077 = arith.addf %add3A_1021, %get3A_1076 : vector<16xf32>
      %add3A_1078 = arith.constant 17 : i32
      %add3A_1079 = arith.addi %mul3A_90, %add3A_1078 : i32
      %get3A_1080 = arith.index_cast %add3A_1079 : i32 to index
      %get3A_1081 = arith.constant 48 : index
      %get3A_1082 = tpu.vector_load %arg6[%get3A_1080, %get3A_1081] {strides = array<i32>} : memref<640x128xf32, #tpu.memory_space<vmem>>, vector<1x16xf32>,
      %get3A_1083 = vector.shape_cast %get3A_1082 : vector<1x16xf32> to vector<16xf32>
      %add3A_1084 = arith.addf %add3A_1028, %get3A_1083 : vector<16xf32>
      %add3A_1085 = arith.constant 17 : i32
      %add3A_1086 = arith.addi %mul3A_90, %add3A_1085 : i32
      %get3A_1087 = arith.index_cast %add3A_1086 : i32 to index
      %get3A_1088 = arith.constant 64 : index
      %get3A_1089 = tpu.vector_load %arg6[%get3A_1087, %get3A_1088] {strides = array<i32>} : memref<640x128xf32, #tpu.memory_space<vmem>>, vector<1x16xf32>,
      %get3A_1090 = vector.shape_cast %get3A_1089 : vector<1x16xf32> to vector<16xf32>
      %add3A_1091 = arith.addf %add3A_1035, %get3A_1090 : vector<16xf32>
      %add3A_1092 = arith.constant 17 : i32
      %add3A_1093 = arith.addi %mul3A_90, %add3A_1092 : i32
      %get3A_1094 = arith.index_cast %add3A_1093 : i32 to index
      %get3A_1095 = arith.constant 80 : index
      %get3A_1096 = tpu.vector_load %arg6[%get3A_1094, %get3A_1095] {strides = array<i32>} : memref<640x128xf32, #tpu.memory_space<vmem>>, vector<1x16xf32>,
      %get3A_1097 = vector.shape_cast %get3A_1096 : vector<1x16xf32> to vector<16xf32>
      %add3A_1098 = arith.addf %add3A_1042, %get3A_1097 : vector<16xf32>
      %add3A_1099 = arith.constant 17 : i32
      %add3A_1100 = arith.addi %mul3A_90, %add3A_1099 : i32
      %get3A_1101 = arith.index_cast %add3A_1100 : i32 to index
      %get3A_1102 = arith.constant 96 : index
      %get3A_1103 = tpu.vector_load %arg6[%get3A_1101, %get3A_1102] {strides = array<i32>} : memref<640x128xf32, #tpu.memory_space<vmem>>, vector<1x16xf32>,
      %get3A_1104 = vector.shape_cast %get3A_1103 : vector<1x16xf32> to vector<16xf32>
      %add3A_1105 = arith.addf %add3A_1049, %get3A_1104 : vector<16xf32>
      %add3A_1106 = arith.constant 17 : i32
      %add3A_1107 = arith.addi %mul3A_90, %add3A_1106 : i32
      %get3A_1108 = arith.index_cast %add3A_1107 : i32 to index
      %get3A_1109 = arith.constant 112 : index
      %get3A_1110 = tpu.vector_load %arg6[%get3A_1108, %get3A_1109] {strides = array<i32>} : memref<640x128xf32, #tpu.memory_space<vmem>>, vector<1x16xf32>,
      %get3A_1111 = vector.shape_cast %get3A_1110 : vector<1x16xf32> to vector<16xf32>
      %add3A_1112 = arith.addf %add3A_1056, %get3A_1111 : vector<16xf32>
      %add3A_1113 = arith.constant 18 : i32
      %add3A_1114 = arith.addi %mul3A_90, %add3A_1113 : i32
      %get3A_1115 = arith.index_cast %add3A_1114 : i32 to index
      %get3A_1116 = arith.constant 0 : index
      %get3A_1117 = tpu.vector_load %arg6[%get3A_1115, %get3A_1116] {strides = array<i32>} : memref<640x128xf32, #tpu.memory_space<vmem>>, vector<1x16xf32>,
      %get3A_1118 = vector.shape_cast %get3A_1117 : vector<1x16xf32> to vector<16xf32>
      %add3A_1119 = arith.addf %add3A_1063, %get3A_1118 : vector<16xf32>
      %add3A_1120 = arith.constant 18 : i32
      %add3A_1121 = arith.addi %mul3A_90, %add3A_1120 : i32
      %get3A_1122 = arith.index_cast %add3A_1121 : i32 to index
      %get3A_1123 = arith.constant 16 : index
      %get3A_1124 = tpu.vector_load %arg6[%get3A_1122, %get3A_1123] {strides = array<i32>} : memref<640x128xf32, #tpu.memory_space<vmem>>, vector<1x16xf32>,
      %get3A_1125 = vector.shape_cast %get3A_1124 : vector<1x16xf32> to vector<16xf32>
      %add3A_1126 = arith.addf %add3A_1070, %get3A_1125 : vector<16xf32>
      %add3A_1127 = arith.constant 18 : i32
      %add3A_1128 = arith.addi %mul3A_90, %add3A_1127 : i32
      %get3A_1129 = arith.index_cast %add3A_1128 : i32 to index
      %get3A_1130 = arith.constant 32 : index
      %get3A_1131 = tpu.vector_load %arg6[%get3A_1129, %get3A_1130] {strides = array<i32>} : memref<640x128xf32, #tpu.memory_space<vmem>>, vector<1x16xf32>,
      %get3A_1132 = vector.shape_cast %get3A_1131 : vector<1x16xf32> to vector<16xf32>
      %add3A_1133 = arith.addf %add3A_1077, %get3A_1132 : vector<16xf32>
      %add3A_1134 = arith.constant 18 : i32
      %add3A_1135 = arith.addi %mul3A_90, %add3A_1134 : i32
      %get3A_1136 = arith.index_cast %add3A_1135 : i32 to index
      %get3A_1137 = arith.constant 48 : index
      %get3A_1138 = tpu.vector_load %arg6[%get3A_1136, %get3A_1137] {strides = array<i32>} : memref<640x128xf32, #tpu.memory_space<vmem>>, vector<1x16xf32>,
      %get3A_1139 = vector.shape_cast %get3A_1138 : vector<1x16xf32> to vector<16xf32>
      %add3A_1140 = arith.addf %add3A_1084, %get3A_1139 : vector<16xf32>
      %add3A_1141 = arith.constant 18 : i32
      %add3A_1142 = arith.addi %mul3A_90, %add3A_1141 : i32
      %get3A_1143 = arith.index_cast %add3A_1142 : i32 to index
      %get3A_1144 = arith.constant 64 : index
      %get3A_1145 = tpu.vector_load %arg6[%get3A_1143, %get3A_1144] {strides = array<i32>} : memref<640x128xf32, #tpu.memory_space<vmem>>, vector<1x16xf32>,
      %get3A_1146 = vector.shape_cast %get3A_1145 : vector<1x16xf32> to vector<16xf32>
      %add3A_1147 = arith.addf %add3A_1091, %get3A_1146 : vector<16xf32>
      %add3A_1148 = arith.constant 18 : i32
      %add3A_1149 = arith.addi %mul3A_90, %add3A_1148 : i32
      %get3A_1150 = arith.index_cast %add3A_1149 : i32 to index
      %get3A_1151 = arith.constant 80 : index
      %get3A_1152 = tpu.vector_load %arg6[%get3A_1150, %get3A_1151] {strides = array<i32>} : memref<640x128xf32, #tpu.memory_space<vmem>>, vector<1x16xf32>,
      %get3A_1153 = vector.shape_cast %get3A_1152 : vector<1x16xf32> to vector<16xf32>
      %add3A_1154 = arith.addf %add3A_1098, %get3A_1153 : vector<16xf32>
      %add3A_1155 = arith.constant 18 : i32
      %add3A_1156 = arith.addi %mul3A_90, %add3A_1155 : i32
      %get3A_1157 = arith.index_cast %add3A_1156 : i32 to index
      %get3A_1158 = arith.constant 96 : index
      %get3A_1159 = tpu.vector_load %arg6[%get3A_1157, %get3A_1158] {strides = array<i32>} : memref<640x128xf32, #tpu.memory_space<vmem>>, vector<1x16xf32>,
      %get3A_1160 = vector.shape_cast %get3A_1159 : vector<1x16xf32> to vector<16xf32>
      %add3A_1161 = arith.addf %add3A_1105, %get3A_1160 : vector<16xf32>
      %add3A_1162 = arith.constant 18 : i32
      %add3A_1163 = arith.addi %mul3A_90, %add3A_1162 : i32
      %get3A_1164 = arith.index_cast %add3A_1163 : i32 to index
      %get3A_1165 = arith.constant 112 : index
      %get3A_1166 = tpu.vector_load %arg6[%get3A_1164, %get3A_1165] {strides = array<i32>} : memref<640x128xf32, #tpu.memory_space<vmem>>, vector<1x16xf32>,
      %get3A_1167 = vector.shape_cast %get3A_1166 : vector<1x16xf32> to vector<16xf32>
      %add3A_1168 = arith.addf %add3A_1112, %get3A_1167 : vector<16xf32>
      %add3A_1169 = arith.constant 19 : i32
      %add3A_1170 = arith.addi %mul3A_90, %add3A_1169 : i32
      %get3A_1171 = arith.index_cast %add3A_1170 : i32 to index
      %get3A_1172 = arith.constant 0 : index
      %get3A_1173 = tpu.vector_load %arg6[%get3A_1171, %get3A_1172] {strides = array<i32>} : memref<640x128xf32, #tpu.memory_space<vmem>>, vector<1x16xf32>,
      %get3A_1174 = vector.shape_cast %get3A_1173 : vector<1x16xf32> to vector<16xf32>
      %add3A_1175 = arith.addf %add3A_1119, %get3A_1174 : vector<16xf32>
      %add3A_1176 = arith.constant 19 : i32
      %add3A_1177 = arith.addi %mul3A_90, %add3A_1176 : i32
      %get3A_1178 = arith.index_cast %add3A_1177 : i32 to index
      %get3A_1179 = arith.constant 16 : index
      %get3A_1180 = tpu.vector_load %arg6[%get3A_1178, %get3A_1179] {strides = array<i32>} : memref<640x128xf32, #tpu.memory_space<vmem>>, vector<1x16xf32>,
      %get3A_1181 = vector.shape_cast %get3A_1180 : vector<1x16xf32> to vector<16xf32>
      %add3A_1182 = arith.addf %add3A_1126, %get3A_1181 : vector<16xf32>
      %add3A_1183 = arith.constant 19 : i32
      %add3A_1184 = arith.addi %mul3A_90, %add3A_1183 : i32
      %get3A_1185 = arith.index_cast %add3A_1184 : i32 to index
      %get3A_1186 = arith.constant 32 : index
      %get3A_1187 = tpu.vector_load %arg6[%get3A_1185, %get3A_1186] {strides = array<i32>} : memref<640x128xf32, #tpu.memory_space<vmem>>, vector<1x16xf32>,
      %get3A_1188 = vector.shape_cast %get3A_1187 : vector<1x16xf32> to vector<16xf32>
      %add3A_1189 = arith.addf %add3A_1133, %get3A_1188 : vector<16xf32>
      %add3A_1190 = arith.constant 19 : i32
      %add3A_1191 = arith.addi %mul3A_90, %add3A_1190 : i32
      %get3A_1192 = arith.index_cast %add3A_1191 : i32 to index
      %get3A_1193 = arith.constant 48 : index
      %get3A_1194 = tpu.vector_load %arg6[%get3A_1192, %get3A_1193] {strides = array<i32>} : memref<640x128xf32, #tpu.memory_space<vmem>>, vector<1x16xf32>,
      %get3A_1195 = vector.shape_cast %get3A_1194 : vector<1x16xf32> to vector<16xf32>
      %add3A_1196 = arith.addf %add3A_1140, %get3A_1195 : vector<16xf32>
      %add3A_1197 = arith.constant 19 : i32
      %add3A_1198 = arith.addi %mul3A_90, %add3A_1197 : i32
      %get3A_1199 = arith.index_cast %add3A_1198 : i32 to index
      %get3A_1200 = arith.constant 64 : index
      %get3A_1201 = tpu.vector_load %arg6[%get3A_1199, %get3A_1200] {strides = array<i32>} : memref<640x128xf32, #tpu.memory_space<vmem>>, vector<1x16xf32>,
      %get3A_1202 = vector.shape_cast %get3A_1201 : vector<1x16xf32> to vector<16xf32>
      %add3A_1203 = arith.addf %add3A_1147, %get3A_1202 : vector<16xf32>
      %add3A_1204 = arith.constant 19 : i32
      %add3A_1205 = arith.addi %mul3A_90, %add3A_1204 : i32
      %get3A_1206 = arith.index_cast %add3A_1205 : i32 to index
      %get3A_1207 = arith.constant 80 : index
      %get3A_1208 = tpu.vector_load %arg6[%get3A_1206, %get3A_1207] {strides = array<i32>} : memref<640x128xf32, #tpu.memory_space<vmem>>, vector<1x16xf32>,
      %get3A_1209 = vector.shape_cast %get3A_1208 : vector<1x16xf32> to vector<16xf32>
      %add3A_1210 = arith.addf %add3A_1154, %get3A_1209 : vector<16xf32>
      %add3A_1211 = arith.constant 19 : i32
      %add3A_1212 = arith.addi %mul3A_90, %add3A_1211 : i32
      %get3A_1213 = arith.index_cast %add3A_1212 : i32 to index
      %get3A_1214 = arith.constant 96 : index
      %get3A_1215 = tpu.vector_load %arg6[%get3A_1213, %get3A_1214] {strides = array<i32>} : memref<640x128xf32, #tpu.memory_space<vmem>>, vector<1x16xf32>,
      %get3A_1216 = vector.shape_cast %get3A_1215 : vector<1x16xf32> to vector<16xf32>
      %add3A_1217 = arith.addf %add3A_1161, %get3A_1216 : vector<16xf32>
      %add3A_1218 = arith.constant 19 : i32
      %add3A_1219 = arith.addi %mul3A_90, %add3A_1218 : i32
      %get3A_1220 = arith.index_cast %add3A_1219 : i32 to index
      %get3A_1221 = arith.constant 112 : index
      %get3A_1222 = tpu.vector_load %arg6[%get3A_1220, %get3A_1221] {strides = array<i32>} : memref<640x128xf32, #tpu.memory_space<vmem>>, vector<1x16xf32>,
      %get3A_1223 = vector.shape_cast %get3A_1222 : vector<1x16xf32> to vector<16xf32>
      %add3A_1224 = arith.addf %add3A_1168, %get3A_1223 : vector<16xf32>
      %swap3A = arith.index_cast %scan3A_88 : i32 to index
      %swap3A_1225 = arith.constant 0 : index
      %swap3A_1226 = tpu.vector_load %arg7[%swap3A, %swap3A_1225] {strides = array<i32>} : memref<32x128xf32, #tpu.memory_space<vmem>>, vector<1x16xf32>,
      %swap3A_1227 = vector.shape_cast %swap3A_1226 : vector<1x16xf32> to vector<16xf32>
      %swap3A_1228 = vector.shape_cast %add3A_1175 : vector<16xf32> to vector<1x16xf32>
      tpu.vector_store %arg7[%swap3A, %swap3A_1225], %swap3A_1228 {strides = array<i32>} : memref<32x128xf32, #tpu.memory_space<vmem>>, vector<1x16xf32>,
      %swap3A_1229 = arith.index_cast %scan3A_88 : i32 to index
      %swap3A_1230 = arith.constant 16 : index
      %swap3A_1231 = tpu.vector_load %arg7[%swap3A_1229, %swap3A_1230] {strides = array<i32>} : memref<32x128xf32, #tpu.memory_space<vmem>>, vector<1x16xf32>,
      %swap3A_1232 = vector.shape_cast %swap3A_1231 : vector<1x16xf32> to vector<16xf32>
      %swap3A_1233 = vector.shape_cast %add3A_1182 : vector<16xf32> to vector<1x16xf32>
      tpu.vector_store %arg7[%swap3A_1229, %swap3A_1230], %swap3A_1233 {strides = array<i32>} : memref<32x128xf32, #tpu.memory_space<vmem>>, vector<1x16xf32>,
      %swap3A_1234 = arith.index_cast %scan3A_88 : i32 to index
      %swap3A_1235 = arith.constant 32 : index
      %swap3A_1236 = tpu.vector_load %arg7[%swap3A_1234, %swap3A_1235] {strides = array<i32>} : memref<32x128xf32, #tpu.memory_space<vmem>>, vector<1x16xf32>,
      %swap3A_1237 = vector.shape_cast %swap3A_1236 : vector<1x16xf32> to vector<16xf32>
      %swap3A_1238 = vector.shape_cast %add3A_1189 : vector<16xf32> to vector<1x16xf32>
      tpu.vector_store %arg7[%swap3A_1234, %swap3A_1235], %swap3A_1238 {strides = array<i32>} : memref<32x128xf32, #tpu.memory_space<vmem>>, vector<1x16xf32>,
      %swap3A_1239 = arith.index_cast %scan3A_88 : i32 to index
      %swap3A_1240 = arith.constant 48 : index
      %swap3A_1241 = tpu.vector_load %arg7[%swap3A_1239, %swap3A_1240] {strides = array<i32>} : memref<32x128xf32, #tpu.memory_space<vmem>>, vector<1x16xf32>,
      %swap3A_1242 = vector.shape_cast %swap3A_1241 : vector<1x16xf32> to vector<16xf32>
      %swap3A_1243 = vector.shape_cast %add3A_1196 : vector<16xf32> to vector<1x16xf32>
      tpu.vector_store %arg7[%swap3A_1239, %swap3A_1240], %swap3A_1243 {strides = array<i32>} : memref<32x128xf32, #tpu.memory_space<vmem>>, vector<1x16xf32>,
      %swap3A_1244 = arith.index_cast %scan3A_88 : i32 to index
      %swap3A_1245 = arith.constant 64 : index
      %swap3A_1246 = tpu.vector_load %arg7[%swap3A_1244, %swap3A_1245] {strides = array<i32>} : memref<32x128xf32, #tpu.memory_space<vmem>>, vector<1x16xf32>,
      %swap3A_1247 = vector.shape_cast %swap3A_1246 : vector<1x16xf32> to vector<16xf32>
      %swap3A_1248 = vector.shape_cast %add3A_1203 : vector<16xf32> to vector<1x16xf32>
      tpu.vector_store %arg7[%swap3A_1244, %swap3A_1245], %swap3A_1248 {strides = array<i32>} : memref<32x128xf32, #tpu.memory_space<vmem>>, vector<1x16xf32>,
      %swap3A_1249 = arith.index_cast %scan3A_88 : i32 to index
      %swap3A_1250 = arith.constant 80 : index
      %swap3A_1251 = tpu.vector_load %arg7[%swap3A_1249, %swap3A_1250] {strides = array<i32>} : memref<32x128xf32, #tpu.memory_space<vmem>>, vector<1x16xf32>,
      %swap3A_1252 = vector.shape_cast %swap3A_1251 : vector<1x16xf32> to vector<16xf32>
      %swap3A_1253 = vector.shape_cast %add3A_1210 : vector<16xf32> to vector<1x16xf32>
      tpu.vector_store %arg7[%swap3A_1249, %swap3A_1250], %swap3A_1253 {strides = array<i32>} : memref<32x128xf32, #tpu.memory_space<vmem>>, vector<1x16xf32>,
      %swap3A_1254 = arith.index_cast %scan3A_88 : i32 to index
      %swap3A_1255 = arith.constant 96 : index
      %swap3A_1256 = tpu.vector_load %arg7[%swap3A_1254, %swap3A_1255] {strides = array<i32>} : memref<32x128xf32, #tpu.memory_space<vmem>>, vector<1x16xf32>,
      %swap3A_1257 = vector.shape_cast %swap3A_1256 : vector<1x16xf32> to vector<16xf32>
      %swap3A_1258 = vector.shape_cast %add3A_1217 : vector<16xf32> to vector<1x16xf32>
      tpu.vector_store %arg7[%swap3A_1254, %swap3A_1255], %swap3A_1258 {strides = array<i32>} : memref<32x128xf32, #tpu.memory_space<vmem>>, vector<1x16xf32>,
      %swap3A_1259 = arith.index_cast %scan3A_88 : i32 to index
      %swap3A_1260 = arith.constant 112 : index
      %swap3A_1261 = tpu.vector_load %arg7[%swap3A_1259, %swap3A_1260] {strides = array<i32>} : memref<32x128xf32, #tpu.memory_space<vmem>>, vector<1x16xf32>,
      %swap3A_1262 = vector.shape_cast %swap3A_1261 : vector<1x16xf32> to vector<16xf32>
      %swap3A_1263 = vector.shape_cast %add3A_1224 : vector<16xf32> to vector<1x16xf32>
      tpu.vector_store %arg7[%swap3A_1259, %swap3A_1260], %swap3A_1263 {strides = array<i32>} : memref<32x128xf32, #tpu.memory_space<vmem>>, vector<1x16xf32>,
    }
    %scan3A_85 = arith.constant 32 : i32
    %mul3A_86 = arith.constant 32 : i32
    %mul3A_87 = arith.muli %add3A, %mul3A_86 : i32
    "tpu.region"() ({
      %run_scoped3A = tpu.sem_alloc : memref<!tpu.dma_semaphore, #tpu.memory_space<semaphore_mem>>
      %dma_start3A_88 = arith.constant 0 : i32
      %dma_start3A_89 = tpu.memref_slice %arg4[%mul3A_87, %dma_start3A_88] : memref<1024x128xf32, #tpu.memory_space<hbm>> -> memref<32x128xf32, #tpu.memory_space<hbm>>
      %dma_start3A_90 = arith.constant 0 : i32
      %dma_start3A_91 = tpu.memref_slice %arg4[%mul3A_87, %dma_start3A_90] : memref<1024x128xf32, #tpu.memory_space<hbm>> -> memref<32x128xf32, #tpu.memory_space<hbm>>
      tpu.enqueue_dma source(%arg7 : memref<32x128xf32, #tpu.memory_space<vmem>>) target(%dma_start3A_91 : memref<32x128xf32, #tpu.memory_space<hbm>>) target_semaphore(%run_scoped3A : memref<!tpu.dma_semaphore, #tpu.memory_space<semaphore_mem>>)
      %dma_wait3A_92 = arith.constant 0 : i32
      %dma_wait3A_93 = tpu.memref_slice %arg4[%mul3A_87, %dma_wait3A_92] : memref<1024x128xf32, #tpu.memory_space<hbm>> -> memref<32x128xf32, #tpu.memory_space<hbm>>
      %dma_wait3A_94 = arith.constant 0 : i32
      %dma_wait3A_95 = tpu.memref_slice %arg4[%mul3A_87, %dma_wait3A_94] : memref<1024x128xf32, #tpu.memory_space<hbm>> -> memref<32x128xf32, #tpu.memory_space<hbm>>
      tpu.wait_dma2 semaphore(%run_scoped3A : memref<!tpu.dma_semaphore, #tpu.memory_space<semaphore_mem>>) src(%arg7 : memref<32x128xf32, #tpu.memory_space<vmem>>) dst(%dma_wait3A_95 : memref<32x128xf32, #tpu.memory_space<hbm>>)
      tpu.yield
    }) : () -> ()
    return
  }
}

#map = affine_map<(d0, d1) -> (0, 0)>
#map1 = affine_map<(d0, d1) -> (0)>
module attributes {stable_mosaic.version = 14 : i64} {
  func.func @_sc_gather_rows(%arg0: i32, %arg1: i32, %arg2: memref<100000x128xf32, #tpu.memory_space<hbm>>, %arg3: memref<20480xi32, #tpu.memory_space<hbm>>, %arg4: memref<20480x128xf32, #tpu.memory_space<hbm>>, %arg5: memref<640xi32, #tpu.memory_space<vmem>>, %arg6: memref<640x128xf32, #tpu.memory_space<vmem>>, %arg7: memref<!tpu.dma_semaphore, #tpu.memory_space<semaphore_mem>>) attributes {dimension_semantics = [#tpu.dimension_semantics<core_parallel>, #tpu.dimension_semantics<subcore_parallel>], iteration_bounds = array<i64: 2, 16>, scalar_prefetch = 0 : i64, scratch_operands = 3 : i64, tpu.core_type = #tpu.core_type<sc_vector_subcore>, window_params = [{transform_indices = #map}, {transform_indices = #map1}, {transform_indices = #map}]} {
    %mul3A = arith.constant 2 : i32
    %mul3A_0 = arith.muli %arg1, %mul3A : i32
    %add3A = arith.addi %mul3A_0, %arg0 : i32
    %mul3A_1 = arith.constant 640 : i32
    %mul3A_2 = arith.muli %add3A, %mul3A_1 : i32
    "tpu.region"() ({
      %run_scoped3A = tpu.sem_alloc : memref<!tpu.dma_semaphore, #tpu.memory_space<semaphore_mem>>
      %dma_start3A_83 = tpu.memref_slice %arg3[%mul3A_2] : memref<20480xi32, #tpu.memory_space<hbm>> -> memref<640xi32, #tpu.memory_space<hbm>>
      %dma_start3A_84 = tpu.memref_slice %arg3[%mul3A_2] : memref<20480xi32, #tpu.memory_space<hbm>> -> memref<640xi32, #tpu.memory_space<hbm>>
      tpu.enqueue_dma source(%dma_start3A_84 : memref<640xi32, #tpu.memory_space<hbm>>) target(%arg5 : memref<640xi32, #tpu.memory_space<vmem>>) target_semaphore(%run_scoped3A : memref<!tpu.dma_semaphore, #tpu.memory_space<semaphore_mem>>)
      %dma_wait3A_85 = tpu.memref_slice %arg3[%mul3A_2] : memref<20480xi32, #tpu.memory_space<hbm>> -> memref<640xi32, #tpu.memory_space<hbm>>
      %dma_wait3A_86 = tpu.memref_slice %arg3[%mul3A_2] : memref<20480xi32, #tpu.memory_space<hbm>> -> memref<640xi32, #tpu.memory_space<hbm>>
      tpu.wait_dma2 semaphore(%run_scoped3A : memref<!tpu.dma_semaphore, #tpu.memory_space<semaphore_mem>>) src(%dma_wait3A_86 : memref<640xi32, #tpu.memory_space<hbm>>) dst(%arg5 : memref<640xi32, #tpu.memory_space<vmem>>)
      tpu.yield
    }) : () -> ()
    %dma_start3A = arith.constant 0 : i32
    %dma_start3A_3 = arith.constant 0 : i32
    %dma_start3A_4 = tpu.memref_slice %arg6[%dma_start3A, %dma_start3A_3] : memref<640x128xf32, #tpu.memory_space<vmem>> -> memref<128x128xf32, #tpu.memory_space<vmem>>
    %dma_start3A_5 = arith.constant 0 : i32
    %dma_start3A_6 = tpu.memref_slice %arg5[%dma_start3A_5] : memref<640xi32, #tpu.memory_space<vmem>> -> memref<128xi32, #tpu.memory_space<vmem>>
    %dma_start3A_7 = arith.constant 0 : i32
    %dma_start3A_8 = arith.constant 0 : i32
    %dma_start3A_9 = tpu.memref_slice %arg2[%dma_start3A_7, %dma_start3A_8] : memref<100000x128xf32, #tpu.memory_space<hbm>> -> memref<100000x128xf32, #tpu.memory_space<hbm>>
    tpu.enqueue_indirect_dma source(%dma_start3A_9 : memref<100000x128xf32, #tpu.memory_space<hbm>>) target(%dma_start3A_4 : memref<128x128xf32, #tpu.memory_space<vmem>>) offsets(%dma_start3A_6 : memref<128xi32, #tpu.memory_space<vmem>>) semaphore(%arg7 : memref<!tpu.dma_semaphore, #tpu.memory_space<semaphore_mem>>)
    %dma_start3A_10 = arith.constant 128 : i32
    %dma_start3A_11 = arith.constant 0 : i32
    %dma_start3A_12 = tpu.memref_slice %arg6[%dma_start3A_10, %dma_start3A_11] : memref<640x128xf32, #tpu.memory_space<vmem>> -> memref<128x128xf32, #tpu.memory_space<vmem>>
    %dma_start3A_13 = arith.constant 128 : i32
    %dma_start3A_14 = tpu.memref_slice %arg5[%dma_start3A_13] : memref<640xi32, #tpu.memory_space<vmem>> -> memref<128xi32, #tpu.memory_space<vmem>>
    %dma_start3A_15 = arith.constant 0 : i32
    %dma_start3A_16 = arith.constant 0 : i32
    %dma_start3A_17 = tpu.memref_slice %arg2[%dma_start3A_15, %dma_start3A_16] : memref<100000x128xf32, #tpu.memory_space<hbm>> -> memref<100000x128xf32, #tpu.memory_space<hbm>>
    tpu.enqueue_indirect_dma source(%dma_start3A_17 : memref<100000x128xf32, #tpu.memory_space<hbm>>) target(%dma_start3A_12 : memref<128x128xf32, #tpu.memory_space<vmem>>) offsets(%dma_start3A_14 : memref<128xi32, #tpu.memory_space<vmem>>) semaphore(%arg7 : memref<!tpu.dma_semaphore, #tpu.memory_space<semaphore_mem>>)
    %dma_start3A_18 = arith.constant 256 : i32
    %dma_start3A_19 = arith.constant 0 : i32
    %dma_start3A_20 = tpu.memref_slice %arg6[%dma_start3A_18, %dma_start3A_19] : memref<640x128xf32, #tpu.memory_space<vmem>> -> memref<128x128xf32, #tpu.memory_space<vmem>>
    %dma_start3A_21 = arith.constant 256 : i32
    %dma_start3A_22 = tpu.memref_slice %arg5[%dma_start3A_21] : memref<640xi32, #tpu.memory_space<vmem>> -> memref<128xi32, #tpu.memory_space<vmem>>
    %dma_start3A_23 = arith.constant 0 : i32
    %dma_start3A_24 = arith.constant 0 : i32
    %dma_start3A_25 = tpu.memref_slice %arg2[%dma_start3A_23, %dma_start3A_24] : memref<100000x128xf32, #tpu.memory_space<hbm>> -> memref<100000x128xf32, #tpu.memory_space<hbm>>
    tpu.enqueue_indirect_dma source(%dma_start3A_25 : memref<100000x128xf32, #tpu.memory_space<hbm>>) target(%dma_start3A_20 : memref<128x128xf32, #tpu.memory_space<vmem>>) offsets(%dma_start3A_22 : memref<128xi32, #tpu.memory_space<vmem>>) semaphore(%arg7 : memref<!tpu.dma_semaphore, #tpu.memory_space<semaphore_mem>>)
    %dma_start3A_26 = arith.constant 384 : i32
    %dma_start3A_27 = arith.constant 0 : i32
    %dma_start3A_28 = tpu.memref_slice %arg6[%dma_start3A_26, %dma_start3A_27] : memref<640x128xf32, #tpu.memory_space<vmem>> -> memref<128x128xf32, #tpu.memory_space<vmem>>
    %dma_start3A_29 = arith.constant 384 : i32
    %dma_start3A_30 = tpu.memref_slice %arg5[%dma_start3A_29] : memref<640xi32, #tpu.memory_space<vmem>> -> memref<128xi32, #tpu.memory_space<vmem>>
    %dma_start3A_31 = arith.constant 0 : i32
    %dma_start3A_32 = arith.constant 0 : i32
    %dma_start3A_33 = tpu.memref_slice %arg2[%dma_start3A_31, %dma_start3A_32] : memref<100000x128xf32, #tpu.memory_space<hbm>> -> memref<100000x128xf32, #tpu.memory_space<hbm>>
    tpu.enqueue_indirect_dma source(%dma_start3A_33 : memref<100000x128xf32, #tpu.memory_space<hbm>>) target(%dma_start3A_28 : memref<128x128xf32, #tpu.memory_space<vmem>>) offsets(%dma_start3A_30 : memref<128xi32, #tpu.memory_space<vmem>>) semaphore(%arg7 : memref<!tpu.dma_semaphore, #tpu.memory_space<semaphore_mem>>)
    %dma_start3A_34 = arith.constant 512 : i32
    %dma_start3A_35 = arith.constant 0 : i32
    %dma_start3A_36 = tpu.memref_slice %arg6[%dma_start3A_34, %dma_start3A_35] : memref<640x128xf32, #tpu.memory_space<vmem>> -> memref<128x128xf32, #tpu.memory_space<vmem>>
    %dma_start3A_37 = arith.constant 512 : i32
    %dma_start3A_38 = tpu.memref_slice %arg5[%dma_start3A_37] : memref<640xi32, #tpu.memory_space<vmem>> -> memref<128xi32, #tpu.memory_space<vmem>>
    %dma_start3A_39 = arith.constant 0 : i32
    %dma_start3A_40 = arith.constant 0 : i32
    %dma_start3A_41 = tpu.memref_slice %arg2[%dma_start3A_39, %dma_start3A_40] : memref<100000x128xf32, #tpu.memory_space<hbm>> -> memref<100000x128xf32, #tpu.memory_space<hbm>>
    tpu.enqueue_indirect_dma source(%dma_start3A_41 : memref<100000x128xf32, #tpu.memory_space<hbm>>) target(%dma_start3A_36 : memref<128x128xf32, #tpu.memory_space<vmem>>) offsets(%dma_start3A_38 : memref<128xi32, #tpu.memory_space<vmem>>) semaphore(%arg7 : memref<!tpu.dma_semaphore, #tpu.memory_space<semaphore_mem>>)
    %dma_wait3A = arith.constant 0 : i32
    %dma_wait3A_42 = arith.constant 0 : i32
    %dma_wait3A_43 = tpu.memref_slice %arg6[%dma_wait3A, %dma_wait3A_42] : memref<640x128xf32, #tpu.memory_space<vmem>> -> memref<128x128xf32, #tpu.memory_space<vmem>>
    %dma_wait3A_44 = arith.constant 0 : i32
    %dma_wait3A_45 = tpu.memref_slice %arg5[%dma_wait3A_44] : memref<640xi32, #tpu.memory_space<vmem>> -> memref<128xi32, #tpu.memory_space<vmem>>
    %dma_wait3A_46 = arith.constant 0 : i32
    %dma_wait3A_47 = arith.constant 0 : i32
    %dma_wait3A_48 = tpu.memref_slice %arg2[%dma_wait3A_46, %dma_wait3A_47] : memref<100000x128xf32, #tpu.memory_space<hbm>> -> memref<100000x128xf32, #tpu.memory_space<hbm>>
    tpu.wait_indirect_dma semaphore(%arg7 : memref<!tpu.dma_semaphore, #tpu.memory_space<semaphore_mem>>) src(%dma_wait3A_48 : memref<100000x128xf32, #tpu.memory_space<hbm>>) dst(%dma_wait3A_43 : memref<128x128xf32, #tpu.memory_space<vmem>>)
    %dma_wait3A_49 = arith.constant 128 : i32
    %dma_wait3A_50 = arith.constant 0 : i32
    %dma_wait3A_51 = tpu.memref_slice %arg6[%dma_wait3A_49, %dma_wait3A_50] : memref<640x128xf32, #tpu.memory_space<vmem>> -> memref<128x128xf32, #tpu.memory_space<vmem>>
    %dma_wait3A_52 = arith.constant 128 : i32
    %dma_wait3A_53 = tpu.memref_slice %arg5[%dma_wait3A_52] : memref<640xi32, #tpu.memory_space<vmem>> -> memref<128xi32, #tpu.memory_space<vmem>>
    %dma_wait3A_54 = arith.constant 0 : i32
    %dma_wait3A_55 = arith.constant 0 : i32
    %dma_wait3A_56 = tpu.memref_slice %arg2[%dma_wait3A_54, %dma_wait3A_55] : memref<100000x128xf32, #tpu.memory_space<hbm>> -> memref<100000x128xf32, #tpu.memory_space<hbm>>
    tpu.wait_indirect_dma semaphore(%arg7 : memref<!tpu.dma_semaphore, #tpu.memory_space<semaphore_mem>>) src(%dma_wait3A_56 : memref<100000x128xf32, #tpu.memory_space<hbm>>) dst(%dma_wait3A_51 : memref<128x128xf32, #tpu.memory_space<vmem>>)
    %dma_wait3A_57 = arith.constant 256 : i32
    %dma_wait3A_58 = arith.constant 0 : i32
    %dma_wait3A_59 = tpu.memref_slice %arg6[%dma_wait3A_57, %dma_wait3A_58] : memref<640x128xf32, #tpu.memory_space<vmem>> -> memref<128x128xf32, #tpu.memory_space<vmem>>
    %dma_wait3A_60 = arith.constant 256 : i32
    %dma_wait3A_61 = tpu.memref_slice %arg5[%dma_wait3A_60] : memref<640xi32, #tpu.memory_space<vmem>> -> memref<128xi32, #tpu.memory_space<vmem>>
    %dma_wait3A_62 = arith.constant 0 : i32
    %dma_wait3A_63 = arith.constant 0 : i32
    %dma_wait3A_64 = tpu.memref_slice %arg2[%dma_wait3A_62, %dma_wait3A_63] : memref<100000x128xf32, #tpu.memory_space<hbm>> -> memref<100000x128xf32, #tpu.memory_space<hbm>>
    tpu.wait_indirect_dma semaphore(%arg7 : memref<!tpu.dma_semaphore, #tpu.memory_space<semaphore_mem>>) src(%dma_wait3A_64 : memref<100000x128xf32, #tpu.memory_space<hbm>>) dst(%dma_wait3A_59 : memref<128x128xf32, #tpu.memory_space<vmem>>)
    %dma_wait3A_65 = arith.constant 384 : i32
    %dma_wait3A_66 = arith.constant 0 : i32
    %dma_wait3A_67 = tpu.memref_slice %arg6[%dma_wait3A_65, %dma_wait3A_66] : memref<640x128xf32, #tpu.memory_space<vmem>> -> memref<128x128xf32, #tpu.memory_space<vmem>>
    %dma_wait3A_68 = arith.constant 384 : i32
    %dma_wait3A_69 = tpu.memref_slice %arg5[%dma_wait3A_68] : memref<640xi32, #tpu.memory_space<vmem>> -> memref<128xi32, #tpu.memory_space<vmem>>
    %dma_wait3A_70 = arith.constant 0 : i32
    %dma_wait3A_71 = arith.constant 0 : i32
    %dma_wait3A_72 = tpu.memref_slice %arg2[%dma_wait3A_70, %dma_wait3A_71] : memref<100000x128xf32, #tpu.memory_space<hbm>> -> memref<100000x128xf32, #tpu.memory_space<hbm>>
    tpu.wait_indirect_dma semaphore(%arg7 : memref<!tpu.dma_semaphore, #tpu.memory_space<semaphore_mem>>) src(%dma_wait3A_72 : memref<100000x128xf32, #tpu.memory_space<hbm>>) dst(%dma_wait3A_67 : memref<128x128xf32, #tpu.memory_space<vmem>>)
    %dma_wait3A_73 = arith.constant 512 : i32
    %dma_wait3A_74 = arith.constant 0 : i32
    %dma_wait3A_75 = tpu.memref_slice %arg6[%dma_wait3A_73, %dma_wait3A_74] : memref<640x128xf32, #tpu.memory_space<vmem>> -> memref<128x128xf32, #tpu.memory_space<vmem>>
    %dma_wait3A_76 = arith.constant 512 : i32
    %dma_wait3A_77 = tpu.memref_slice %arg5[%dma_wait3A_76] : memref<640xi32, #tpu.memory_space<vmem>> -> memref<128xi32, #tpu.memory_space<vmem>>
    %dma_wait3A_78 = arith.constant 0 : i32
    %dma_wait3A_79 = arith.constant 0 : i32
    %dma_wait3A_80 = tpu.memref_slice %arg2[%dma_wait3A_78, %dma_wait3A_79] : memref<100000x128xf32, #tpu.memory_space<hbm>> -> memref<100000x128xf32, #tpu.memory_space<hbm>>
    tpu.wait_indirect_dma semaphore(%arg7 : memref<!tpu.dma_semaphore, #tpu.memory_space<semaphore_mem>>) src(%dma_wait3A_80 : memref<100000x128xf32, #tpu.memory_space<hbm>>) dst(%dma_wait3A_75 : memref<128x128xf32, #tpu.memory_space<vmem>>)
    %mul3A_81 = arith.constant 640 : i32
    %mul3A_82 = arith.muli %add3A, %mul3A_81 : i32
    "tpu.region"() ({
      %run_scoped3A = tpu.sem_alloc : memref<!tpu.dma_semaphore, #tpu.memory_space<semaphore_mem>>
      %dma_start3A_83 = arith.constant 0 : i32
      %dma_start3A_84 = tpu.memref_slice %arg4[%mul3A_82, %dma_start3A_83] : memref<20480x128xf32, #tpu.memory_space<hbm>> -> memref<640x128xf32, #tpu.memory_space<hbm>>
      %dma_start3A_85 = arith.constant 0 : i32
      %dma_start3A_86 = tpu.memref_slice %arg4[%mul3A_82, %dma_start3A_85] : memref<20480x128xf32, #tpu.memory_space<hbm>> -> memref<640x128xf32, #tpu.memory_space<hbm>>
      tpu.enqueue_dma source(%arg6 : memref<640x128xf32, #tpu.memory_space<vmem>>) target(%dma_start3A_86 : memref<640x128xf32, #tpu.memory_space<hbm>>) target_semaphore(%run_scoped3A : memref<!tpu.dma_semaphore, #tpu.memory_space<semaphore_mem>>)
      %dma_wait3A_87 = arith.constant 0 : i32
      %dma_wait3A_88 = tpu.memref_slice %arg4[%mul3A_82, %dma_wait3A_87] : memref<20480x128xf32, #tpu.memory_space<hbm>> -> memref<640x128xf32, #tpu.memory_space<hbm>>
      %dma_wait3A_89 = arith.constant 0 : i32
      %dma_wait3A_90 = tpu.memref_slice %arg4[%mul3A_82, %dma_wait3A_89] : memref<20480x128xf32, #tpu.memory_space<hbm>> -> memref<640x128xf32, #tpu.memory_space<hbm>>
      tpu.wait_dma2 semaphore(%run_scoped3A : memref<!tpu.dma_semaphore, #tpu.memory_space<semaphore_mem>>) src(%arg6 : memref<640x128xf32, #tpu.memory_space<vmem>>) dst(%dma_wait3A_90 : memref<640x128xf32, #tpu.memory_space<hbm>>)
      tpu.yield
    }) : () -> ()
    return
  }
}

module attributes {stable_mosaic.version = 14 : i64} {
  func.func @_tc_encode(%arg0: i32, %arg1: memref<256x128xbf16, #tpu.memory_space<vmem>>, %arg2: memref<128x128xf32, #tpu.memory_space<vmem>>, %arg3: memref<1x128xf32, #tpu.memory_space<vmem>>, %arg4: memref<256x128xf32, #tpu.memory_space<vmem>>) attributes {dimension_semantics = [#tpu.dimension_semantics<arbitrary>], iteration_bounds = array<i64: 80>, scalar_prefetch = 0 : i64, scratch_operands = 0 : i64, tpu.core_type = #tpu.core_type<tc>, window_params = [{transform_indices = @transform_0, window_bounds = array<i64: 256, 128>}, {pipeline_mode = #tpu.pipeline_mode<synchronous>, transform_indices = @transform_1, window_bounds = array<i64: 128, 128>}, {pipeline_mode = #tpu.pipeline_mode<synchronous>, transform_indices = @transform_2, window_bounds = array<i64: 1, 128>}, {transform_indices = @transform_3, window_bounds = array<i64: 256, 128>}]} {
    %get3A = arith.constant 0 : index
    %get3A_0 = arith.constant 0 : index
    %get3A_1 = vector.load %arg1[%get3A, %get3A_0] : memref<256x128xbf16, #tpu.memory_space<vmem>>, vector<256x128xbf16>
    %get3A_2 = arith.constant 0 : index
    %get3A_3 = arith.constant 0 : index
    %get3A_4 = vector.load %arg2[%get3A_2, %get3A_3] : memref<128x128xf32, #tpu.memory_space<vmem>>, vector<128x128xf32>
    %dot_general3A = arith.constant dense<0.000000e+00> : vector<256x128xf32>
    %dot_general3A_5 = tpu.matmul %get3A_1, %get3A_4, %dot_general3A {dimension_numbers = #tpu.dot_dimension_numbers<[1], [0], [0], [1], [0, 0, 1, 1], [], []>, transpose_lhs_hint = false} : vector<256x128xbf16>, vector<128x128xf32>, vector<256x128xf32> -> vector<256x128xf32>
    %get3A_6 = arith.constant 0 : index
    %get3A_7 = arith.constant 0 : index
    %get3A_8 = vector.load %arg3[%get3A_6, %get3A_7] : memref<1x128xf32, #tpu.memory_space<vmem>>, vector<1x128xf32>
    %add3A = vector.broadcast %get3A_8 : vector<1x128xf32> to vector<256x128xf32>
    %add3A_9 = arith.addf %dot_general3A_5, %add3A : vector<256x128xf32>
    %swap3A = arith.constant 0 : index
    %swap3A_10 = arith.constant 0 : index
    %swap3A_11 = vector.load %arg4[%swap3A, %swap3A_10] : memref<256x128xf32, #tpu.memory_space<vmem>>, vector<256x128xf32>
    tpu.vector_store %arg4[%swap3A, %swap3A_10], %add3A_9 {strides = array<i32>} : memref<256x128xf32, #tpu.memory_space<vmem>>, vector<256x128xf32>,
    return
  }
  func.func @transform_0(%arg0: i32) -> (i32, i32) {
    %c0_i32 = arith.constant 0 : i32
    %c0_i32_0 = arith.constant 0 : i32
    return %arg0, %c0_i32 : i32, i32
  }
  func.func @transform_1(%arg0: i32) -> (i32, i32) {
    %c0_i32 = arith.constant 0 : i32
    %c0_i32_0 = arith.constant 0 : i32
    %c0_i32_1 = arith.constant 0 : i32
    return %c0_i32, %c0_i32_0 : i32, i32
  }
  func.func @transform_2(%arg0: i32) -> (i32, i32) {
    %c0_i32 = arith.constant 0 : i32
    %c0_i32_0 = arith.constant 0 : i32
    %c0_i32_1 = arith.constant 0 : i32
    return %c0_i32, %c0_i32_0 : i32, i32
  }
  func.func @transform_3(%arg0: i32) -> (i32, i32) {
    %c0_i32 = arith.constant 0 : i32
    %c0_i32_0 = arith.constant 0 : i32
    return %arg0, %c0_i32 : i32, i32
  }
}

module attributes {stable_mosaic.version = 14 : i64} {
  func.func @_tc_argmin(%arg0: i32, %arg1: memref<256x128xbf16, #tpu.memory_space<vmem>>, %arg2: memref<256x1xf32, #tpu.memory_space<vmem>>, %arg3: memref<1x8192xf32, #tpu.memory_space<vmem>>, %arg4: memref<8192x128xf32, #tpu.memory_space<vmem>>, %arg5: memref<256x1xi32, #tpu.memory_space<vmem>>) attributes {dimension_semantics = [#tpu.dimension_semantics<arbitrary>], iteration_bounds = array<i64: 80>, scalar_prefetch = 0 : i64, scratch_operands = 0 : i64, tpu.core_type = #tpu.core_type<tc>, window_params = [{transform_indices = @transform_0, window_bounds = array<i64: 256, 128>}, {transform_indices = @transform_1, window_bounds = array<i64: 256, 1>}, {pipeline_mode = #tpu.pipeline_mode<synchronous>, transform_indices = @transform_2, window_bounds = array<i64: 1, 8192>}, {pipeline_mode = #tpu.pipeline_mode<synchronous>, transform_indices = @transform_3, window_bounds = array<i64: 8192, 128>}, {transform_indices = @transform_4, window_bounds = array<i64: 256, 1>}]} {
    %get3A = arith.constant 0 : index
    %get3A_0 = arith.constant 0 : index
    %get3A_1 = vector.load %arg1[%get3A, %get3A_0] : memref<256x128xbf16, #tpu.memory_space<vmem>>, vector<256x128xbf16>
    %get3A_2 = arith.constant 0 : index
    %get3A_3 = arith.constant 0 : index
    %get3A_4 = vector.load %arg4[%get3A_2, %get3A_3] : memref<8192x128xf32, #tpu.memory_space<vmem>>, vector<8192x128xf32>
    %dot_general3A = arith.constant dense<0.000000e+00> : vector<256x8192xf32>
    %dot_general3A_5 = tpu.matmul %get3A_1, %get3A_4, %dot_general3A {dimension_numbers = #tpu.dot_dimension_numbers<[1], [1], [0], [0], [0, 0, 1, 0], [], []>, transpose_lhs_hint = false} : vector<256x128xbf16>, vector<8192x128xf32>, vector<256x8192xf32> -> vector<256x8192xf32>
    %get3A_6 = arith.constant 0 : index
    %get3A_7 = arith.constant 0 : index
    %get3A_8 = vector.load %arg2[%get3A_6, %get3A_7] : memref<256x1xf32, #tpu.memory_space<vmem>>, vector<256x1xf32>
    %get3A_9 = arith.constant 0 : index
    %get3A_10 = arith.constant 0 : index
    %get3A_11 = vector.load %arg3[%get3A_9, %get3A_10] : memref<1x8192xf32, #tpu.memory_space<vmem>>, vector<1x8192xf32>
    %add3A = vector.broadcast %get3A_8 : vector<256x1xf32> to vector<256x8192xf32>
    %add3A_12 = vector.broadcast %get3A_11 : vector<1x8192xf32> to vector<256x8192xf32>
    %add3A_13 = arith.addf %add3A, %add3A_12 : vector<256x8192xf32>
    %mul3A = arith.constant 2.000000e+00 : f32
    %mul3A_14 = vector.broadcast %mul3A : f32 to vector<256x8192xf32>
    %mul3A_15 = arith.mulf %mul3A_14, %dot_general3A_5 : vector<256x8192xf32>
    %sub3A = arith.subf %add3A_13, %mul3A_15 : vector<256x8192xf32>
    %reduce_min3A = arith.constant dense<0x7F800000> : vector<256xf32>
    %reduce_min3A_16 = vector.multi_reduction <minimumf>, %sub3A, %reduce_min3A [1] : vector<256x8192xf32> to vector<256xf32>
    %broadcast_in_dim3A = vector.shape_cast %reduce_min3A_16 : vector<256xf32> to vector<256x1xf32>
    %iota3A = tpu.iota {dimensions = array<i32: 1>} : vector<256x8192xi32>
    %eq3A = vector.broadcast %broadcast_in_dim3A : vector<256x1xf32> to vector<256x8192xf32>
    %eq3A_17 = arith.cmpf oeq, %sub3A, %eq3A : vector<256x8192xf32>
    %jit3A = arith.constant 8192 : i32
    %broadcast_in_dim3A_18 = vector.broadcast %jit3A : i32 to vector<256x8192xi32>
    %select_n3A = arith.select %eq3A_17, %iota3A, %broadcast_in_dim3A_18 : vector<256x8192xi1>, vector<256x8192xi32>
    %reduce_min3A_19 = arith.constant dense<2147483647> : vector<256xi32>
    %reduce_min3A_20 = vector.multi_reduction <minsi>, %select_n3A, %reduce_min3A_19 [1] : vector<256x8192xi32> to vector<256xi32>
    %broadcast_in_dim3A_21 = vector.shape_cast %reduce_min3A_20 : vector<256xi32> to vector<256x1xi32>
    %swap3A = arith.constant 0 : index
    %swap3A_22 = arith.constant 0 : index
    %swap3A_23 = vector.load %arg5[%swap3A, %swap3A_22] : memref<256x1xi32, #tpu.memory_space<vmem>>, vector<256x1xi32>
    tpu.vector_store %arg5[%swap3A, %swap3A_22], %broadcast_in_dim3A_21 {strides = array<i32>} : memref<256x1xi32, #tpu.memory_space<vmem>>, vector<256x1xi32>,
    return
  }
  func.func @transform_0(%arg0: i32) -> (i32, i32) {
    %c0_i32 = arith.constant 0 : i32
    %c0_i32_0 = arith.constant 0 : i32
    return %arg0, %c0_i32 : i32, i32
  }
  func.func @transform_1(%arg0: i32) -> (i32, i32) {
    %c0_i32 = arith.constant 0 : i32
    %c0_i32_0 = arith.constant 0 : i32
    return %arg0, %c0_i32 : i32, i32
  }
  func.func @transform_2(%arg0: i32) -> (i32, i32) {
    %c0_i32 = arith.constant 0 : i32
    %c0_i32_0 = arith.constant 0 : i32
    %c0_i32_1 = arith.constant 0 : i32
    return %c0_i32, %c0_i32_0 : i32, i32
  }
  func.func @transform_3(%arg0: i32) -> (i32, i32) {
    %c0_i32 = arith.constant 0 : i32
    %c0_i32_0 = arith.constant 0 : i32
    %c0_i32_1 = arith.constant 0 : i32
    return %c0_i32, %c0_i32_0 : i32, i32
  }
  func.func @transform_4(%arg0: i32) -> (i32, i32) {
    %c0_i32 = arith.constant 0 : i32
    %c0_i32_0 = arith.constant 0 : i32
    return %arg0, %c0_i32 : i32, i32
  }
}

module attributes {stable_mosaic.version = 14 : i64} {
  func.func @_tc_finalize(%arg0: memref<1024x128xf32, #tpu.memory_space<vmem>>, %arg1: memref<1024x20xi32, #tpu.memory_space<vmem>>, %arg2: memref<1024x128xf32, #tpu.memory_space<vmem>>) attributes {dimension_semantics = [], scalar_prefetch = 0 : i64, scratch_operands = 0 : i64, tpu.core_type = #tpu.core_type<tc>} {
    %get3A = arith.constant 0 : index
    %get3A_0 = arith.constant 0 : index
    %get3A_1 = vector.load %arg1[%get3A, %get3A_0] : memref<1024x20xi32, #tpu.memory_space<vmem>>, vector<1024x20xi32>
    %ge3A = arith.constant 1 : i32
    %ge3A_2 = vector.broadcast %ge3A : i32 to vector<1024x20xi32>
    %ge3A_3 = arith.cmpi sge, %get3A_1, %ge3A_2 : vector<1024x20xi32>
    %convert_element_type3A = arith.extui %ge3A_3 : vector<1024x20xi1> to vector<1024x20xi32>
    %convert_element_type3A_4 = arith.sitofp %convert_element_type3A : vector<1024x20xi32> to vector<1024x20xf32>
    %reduce_sum3A = arith.constant dense<0.000000e+00> : vector<1024xf32>
    %reduce_sum3A_5 = vector.multi_reduction <add>, %convert_element_type3A_4, %reduce_sum3A [1] : vector<1024x20xf32> to vector<1024xf32>
    %broadcast_in_dim3A = vector.shape_cast %reduce_sum3A_5 : vector<1024xf32> to vector<1024x1xf32>
    %get3A_6 = arith.constant 0 : index
    %get3A_7 = arith.constant 0 : index
    %get3A_8 = vector.load %arg0[%get3A_6, %get3A_7] : memref<1024x128xf32, #tpu.memory_space<vmem>>, vector<1024x128xf32>
    %div3A = vector.broadcast %broadcast_in_dim3A : vector<1024x1xf32> to vector<1024x128xf32>
    %div3A_9 = arith.divf %get3A_8, %div3A : vector<1024x128xf32>
    %swap3A = arith.constant 0 : index
    %swap3A_10 = arith.constant 0 : index
    %swap3A_11 = vector.load %arg2[%swap3A, %swap3A_10] : memref<1024x128xf32, #tpu.memory_space<vmem>>, vector<1024x128xf32>
    tpu.vector_store %arg2[%swap3A, %swap3A_10], %div3A_9 {strides = array<i32>} : memref<1024x128xf32, #tpu.memory_space<vmem>>, vector<1024x128xf32>,
    return
  }
}

</mosaic_0001>

<sc_bundles>
// kernel: kernel.10.cloned.1.call-start
scs
__scs_entry_jumppad:
0x0: {  	(pc) =	sbr.rel $0x88, $3  }
0x1: {  	(tag) =	ssettag $0x0;
	lr =	simm.s32 $0x1  }
0x2: {  	[smem:$0x3F9B] =	sst lr;
	_ =	strace $0xD0000000  }
0x3: {  	_ = 	snop  }
0x4: {  	_ = 	snop  }
0x5: {  	_ = 	snop  }
0x6: {  	_ = 	snop  }
0x7: {  	_ = 	snop  }
__scs_overlays_trampoline_lowered:
0x8: {  	[smem:$0x3FAA] =	sst s0  }
0x9: {  	[smem:$0x3FAB] =	sst s1  }
0xa: {  	[smem:$0x3FAC] =	sst s2  }
0xb: {  	[smem:$0x3FAD] =	sst s3  }
0xc: {  	[smem:$0x3FAE] =	sst s4  }
0xd: {  	[smem:$0x3FAF] =	sst s5  }
0xe: {  	[smem:$0x3FB0] =	sst s6  }
0xf: {  	[smem:$0x3FB1] =	sst s7  }
0x10: {  	[smem:$0x3FB2] =	sst s8  }
0x11: {  	[smem:$0x3FB3] =	sst s9;
	s0 =	simm.s32 @!p0 $0x0  }
0x12: {  	s1 =	sld [smem:$0x3F99];
	s0 =	simm.s32 @p0 $0x1  }
0x13: {  	[smem:$0x3FB4] =	sst s0;
	s0 =	simm.s32 @!p1 $0x0  }
0x14: {  	s2 =	sld [smem:$0x3F98];
	s0 =	simm.s32 @p1 $0x1  }
0x15: {  	[smem:$0x3FB5] =	sst s0;
	s0 =	simm.s32 @!p2 $0x0  }
0x16: {  	s3 =	sld [smem:$0x3FDB];
	s0 =	simm.s32 @p2 $0x1  }
0x17: {  	s4 =	simm.s32 $0x1BF5;
	[smem:$0x3FB7] =	sst s0  }
0x18: {  	s0 =	sld [smem:$0x3F9A];
	_ =	swait.ge [sflag:s4], $0x0  }
0x19: {  	s7 =	sld [smem:$0x3F9B]  }
0x1a: {  	s8 =	sadd.s32 $0xFFFFE003, lr  }
0x1b: {  	s9 =	sadd.s32 $0xFFFFFEF7, lr;
	s5 =	simm.s32 $0xFFFFFFFF;
	p2 =	slt.u32 s8, $0xFFFFF086  }
0x1c: {  	p1 =	slt.u32 s9, $0xF7A;
	s5 =	simm.s32 @!p2 $0x0  }
0x1d: {  	s5 =	simm.s32 @p1 $0x1;
	p0 =	seq.s32 s7, s2  }
0x1e: {  	s7 =	smul.u32 @!p0 $0xF7A, s2;
	p2 =	seq.s32 @!p0 s5, $0x0  }
0x1f: {  	s9 =	smul.u32 $0xF7A, s1;
	s8 =	simm.s32 @!p0 $0x1BF5;
	p2 =	por !p2, p0  }
0x20: {  	[sflag:s8] =	ssyncset.s32 @!p0 $0xFFFFF086;
	s6 =	sadd.s32 @!p0 s3, s7;
	s7 =	simm.s32 @!p0 $0x108  }
0x21: {  	s3 =	sadd.s32 s3, s9;
	s6 =	sadd.s32 @!p0 $0x88, s6;
	s7 =	simm.s32 @p2 $0x1082  }
0x22: {  	[simem:s7], [sflag:s8] =	dma.local @!p0 [hbm:s6], $0xF7A  }
0x23: {  	s9 =	sor.u32 $0xD0000000, s2;
	s6 =	simm.s32 $0x108;
	_ =	swait.ge @!p0 [sflag:s8], $0x0  }
0x24: {  	s3 =	sadd.s32 $0x88, s3;
	s6 =	simm.s32 @!p1 $0x1082;
	[sflag:s4] =	ssyncset.s32 $0xFFFFF086  }
0x25: {  	[simem:s6], [sflag:s4] =	dma.local [hbm:s3], $0xF7A  }
0x26: {  	[smem:$0x3F9B] =	sst s1;
	(tag) =	ssettag s2;
	_ =	strace s9  }
0x27: {  	s1 =	sld [smem:$0x3FAB]  }
0x28: {  	s2 =	sld [smem:$0x3FAC]  }
0x29: {  	s4 =	sld [smem:$0x3FAE]  }
0x2a: {  	p0 =	seq.s32 s5, $0x0;
	s5 =	sld [smem:$0x3FAF]  }
0x2b: {  	s6 =	sld [smem:$0x3FB0]  }
0x2c: {  	s7 =	sld [smem:$0x3FB1]  }
0x2d: {  	s3 =	simm.s32 $0x108;
	s8 =	sld [smem:$0x3FB2]  }
0x2e: {  	s3 =	simm.s32 @!p0 $0x1082;
	s9 =	sld [smem:$0x3FB3]  }
0x2f: {  	lr =	sadd.s32 s0, s3;
	s0 =	sld [smem:$0x3FAA]  }
0x30: {  	s3 =	sld [smem:$0x3FAD]  }
0x31: {  	[smem:$0x3FB6] =	sst s10  }
0x32: {  	s10 =	sld [smem:$0x3FB4];
	_ =	sdelay $0x3  }
0x33: {  	p0 =	seq.s32 s10, $0x1;
	s10 =	sld [smem:$0x3FB6];
	_ =	sdelay $0x3  }
0x34: {  	[smem:$0x3FB6] =	sst s10  }
0x35: {  	s10 =	sld [smem:$0x3FB5];
	_ =	sdelay $0x3  }
0x36: {  	p1 =	seq.s32 s10, $0x1;
	s10 =	sld [smem:$0x3FB6];
	_ =	sdelay $0x3  }
0x37: {  	[smem:$0x3FB6] =	sst s10  }
0x38: {  	s10 =	sld [smem:$0x3FB7]  }
0x39: {  	_ = 	snop;
	(pc) =	sbr.ind lr, $3  }
0x3a: {  	_ = 	snop  }
0x3b: {  	_ = 	snop  }
0x3c: {  	p2 =	seq.s32 s10, $0x1;
	s10 =	sld [smem:$0x3FB6]  }
0x3d: {  	_ =	shalt  }
0x3e: {  	_ =	shalt  }
0x3f: {  	_ =	shalt  }
0x40: {  	_ =	shalt  }
0x41: {  	_ =	shalt  }
0x42: {  	_ =	shalt  }
0x43: {  	_ =	shalt  }
0x44: {  	_ =	shalt  }
0x45: {  	_ =	shalt  }
0x46: {  	_ =	shalt  }
0x47: {  	_ =	shalt  }
0x48: {  	_ =	shalt  }
0x49: {  	_ =	shalt  }
0x4a: {  	_ =	shalt  }
0x4b: {  	_ =	shalt  }
0x4c: {  	_ =	shalt  }
0x4d: {  	_ =	shalt  }
0x4e: {  	_ =	shalt  }
0x4f: {  	_ =	shalt  }
0x50: {  	_ =	shalt  }
0x51: {  	_ =	shalt  }
0x52: {  	_ =	shalt  }
0x53: {  	_ =	shalt  }
0x54: {  	_ =	shalt  }
0x55: {  	_ =	shalt  }
0x56: {  	_ =	shalt  }
0x57: {  	_ =	shalt  }
0x58: {  	_ =	shalt  }
0x59: {  	_ =	shalt  }
0x5a: {  	_ =	shalt  }
0x5b: {  	_ =	shalt  }
0x5c: {  	_ =	shalt  }
0x5d: {  	_ =	shalt  }
0x5e: {  	_ =	shalt  }
0x5f: {  	_ =	shalt  }
0x60: {  	_ =	shalt  }
0x61: {  	_ =	shalt  }
0x62: {  	_ =	shalt  }
0x63: {  	_ =	shalt  }
0x64: {  	_ =	shalt  }
0x65: {  	_ =	shalt  }
0x66: {  	_ =	shalt  }
0x67: {  	_ =	shalt  }
0x68: {  	_ =	shalt  }
0x69: {  	_ =	shalt  }
0x6a: {  	_ =	shalt  }
0x6b: {  	_ =	shalt  }
0x6c: {  	_ =	shalt  }
0x6d: {  	_ =	shalt  }
0x6e: {  	_ =	shalt  }
0x6f: {  	_ =	shalt  }
0x70: {  	_ =	shalt  }
0x71: {  	_ =	shalt  }
0x72: {  	_ =	shalt  }
0x73: {  	_ =	shalt  }
0x74: {  	_ =	shalt  }
0x75: {  	_ =	shalt  }
0x76: {  	_ =	shalt  }
0x77: {  	_ =	shalt  }
0x78: {  	_ =	shalt  }
0x79: {  	_ =	shalt  }
0x7a: {  	_ =	shalt  }
0x7b: {  	_ =	shalt  }
0x7c: {  	_ =	shalt  }
0x7d: {  	_ =	shalt  }
0x7e: {  	_ =	shalt  }
0x7f: {  	_ =	shalt  }
0x80: {  	_ =	shalt  }
0x81: {  	_ =	shalt  }
0x82: {  	_ =	shalt  }
0x83: {  	_ =	shalt  }
0x84: {  	_ =	shalt  }
0x85: {  	_ =	shalt  }
0x86: {  	_ =	shalt  }
0x87: {  	_ =	shalt  }
.Lfunc_end0:
.L_simem_size_0:
called_computation.1_lowered:
.L_overlay_start_0:
0x88: {  	s2 =	sld [smem:$0x3FD9]  }
0x89: {  	s3 =	sld [smem:$0x3FFE];
	_ =	sdelay $0x1  }
0x8a: {  	s1 =	srdreg.scid  }
0x8b: {  	s0 =	sand.u32 $0x1, s1  }
0x8c: {  	s17 =	sshll.u32 s0, $0xA;
	s2 =	sadd.s32 s3, s2  }
0x8d: {  	s2 =	sadd.s32 s2, s17  }
0x8e: {  	[smem:$0x3FC2] =	sst s2  }
0x8f: {  	_ = 	snop  }
0x90: {  	s2 =	sld [smem:$0x3FC6]  }
0x91: {  	s18 =	sld [smem:$0x3FD0];
	(tm) =	ssettm $0x1  }
0x92: {  	s4 =	sld [smem:$0x3FFB];
	_ =	sdelay $0x3  }
0x93: {  	_ =	strace s4  }
0x94: {  	s4 =	sld [smem:$0x3FFC];
	_ =	sdelay $0x3  }
0x95: {  	_ =	strace s4  }
0x96: {  	s4 =	sld [smem:$0x3FFD];
	_ =	sdelay $0x3  }
0x97: {  	_ =	strace s4  }
0x98: {  	_ =	strace $0x8FFFFFFF  }
0x99: {  	s19 =	sld [smem:$0x3FDB];
	_ =	sdelay $0x1  }
0x9a: {  	s5 =	simm.s32 $_scs_section_size  }
0x9b: {  	s6 =	simm.s32 $_size__tile_overlayer_lowered;
	s7 =	simm.s32 $_tile_overlayer_lowered  }
0x9c: {  	s22 =	simm.s32 $0x1BFF;
	s21 =	sshll.u32 s7, $0x1;
	s4 =	sadd.s32 s5, s19  }
0x9d: {  	s8 =	simm.s32 $0x0;
	s20 =	sshll.u32 s6, $0x1;
	s6 =	sadd.s32 s21, s4  }
0x9e: {  	[timem:s8], [sflag:s22] =	dma.local [hbm:s6], s20  }
0x9f: {  	_ =	swait.ge [sflag:s22], s20  }
0xa0: {  	s5 =	ssub.s32 $0x0, s20;
	[sflag:s22] =	ssyncset.done $0x0  }
0xa1: {  	[sflag:s22] =	ssyncadd.s32 s5;
	_ =	sdelay $0x1  }
0xa2: {  	s23 =	simm.s32 $0x1B8B  }
0xa3: {  	_ =	swait.ge [sflag:s23], $0x1  }
0xa4: {  	[sflag:s23] =	ssyncset.done $0x0  }
0xa5: {  	s25 =	simm.s32 $0x1B8E;
	s24 =	sld [smem:$0x3FFE];
	[sflag:s23] =	ssyncadd.s32 $0xFFFFFFFF  }
0xa6: {  	s26 =	simm.s32 $execute0_lowered;
	[smem:$0x3FD2] =	sst s25  }
0xa7: {  	s6 =	sshll.u32 s26, $0x1;
	_ =	strace $0x80000049;
	[dreg:$0x1] =	wrdreg $0xFFFFFFFF  }
0xa8: {  	s28 =	simm.s32 $_size_execute0_lowered;
	s4 =	sadd.s32 s4, s6;
	[dreg:$0x0] =	wrdreg $0x0  }
0xa9: {  	s6 =	sshll.u32 s28, $0x1;
	[dreg:$0x2] =	wrdreg s4  }
0xaa: {  	[dreg:$0x3] =	wrdreg s6  }
0xab: {  	[dreg:$0x4] =	wrdreg $0xC0  }
0xac: {  	_ =	task [dreg:s8], $0x5FFFF  }
0xad: {  	[dreg:$0x1] =	wrdreg $0xFFFFFFFF  }
0xae: {  	[dreg:$0x0] =	wrdreg $0x60  }
0xaf: {  	[dreg:$0x2] =	wrdreg s2  }
0xb0: {  	[dreg:$0x3] =	wrdreg s24  }
0xb1: {  	[dreg:$0x4] =	wrdreg s18  }
0xb2: {  	[dreg:$0x5] =	wrdreg $0x9  }
0xb3: {  	_ =	task.clear_ibuf [dreg:s8], $0x6FFFF;
	_ =	strace $0x90000049  }
0xb4: {  	s29 =	simm.s32 $0x9;
	_ =	strace $0x8000004B  }
0xb5: {  	_ =	swait.ge [sflag:s29], $0x1  }
0xb6: {  	[sflag:s29] =	ssyncadd.s32 $0xFFFFFFFF  }
0xb7: {  	_ =	strace $0x9000004B  }
0xb8: {  	_ =	sfence  }
0xb9: {  	s30 =	sld [smem:$0x0];
	_ =	sdelay $0x2  }
0xba: {  	s31 =	sshll.u32 s1, $0xD;
	s1 =	sshrl.u32 s1, $0x2  }
0xbb: {  	s3 =	sand.u32 $0x4000, s31;
	s1 =	sadd.s32 s1, s30  }
0xbc: {  	s0 =	sor.u32 s3, s0;
	s1 =	sshll.u32 s1, $0x11  }
0xbd: {  	s0 =	sor.u32 s1, s0  }
0xbe: {  	s0 =	sadd.s32 $0x8F2B, s0  }
0xbf: {  	[sflag:s0] =	ssyncadd.remote.s32 $0x1  }
0xc0: {  	_ =	sfence.sel $0xFFFF  }
0xc1: {  	[dreg:$0x0] =	wrdreg $0xFFFFFFFF;
	(pc) =	sbr.abs _section_cstart, $3  }
0xc2: {  	[dreg:$0x1] =	wrdreg $0xFFFFFFFF  }
0xc3: {  	_ =	task.clear_ibuf [dreg:s8], $0x2FFFF;
	_ =	strace $0x9FFFFFFF  }
0xc4: {  	(tm) =	ssettm $0x7FFFFFFF  }
0xc5: {  	_ =	shalt  }
tec
execute0_lowered:
.L_overlay_start_1:
0x0: {  	(tag) =	ssettag $0x1  }
0x1: {  	s1 =	rddreg [dreg:$0x0];
	s2 =	srdreg.scid  }
0x2: {  	s0 =	stileid.u32;
	s4 =	rddreg [dreg:$0x1]  }
0x3: {  	s6 =	rddreg [dreg:$0x2];
	s3 =	simm.s32 $0x0;
	s9 =	simm.s32 $0x280  }
0x4: {  	s10 =	simm.s32 $0x4280;
	s11 =	simm.s32 $0x100;
	s12 =	simm.s32 $0x8280  }
0x5: {  	s13 =	simm.s32 $0x180;
	s14 =	simm.s32 $0xC280;
	s15 =	simm.s32 $0x200  }
0x6: {  	s16 =	simm.s32 $0x10280;
	s17 =	simm.s32 $0x1;
	s18 =	simm.s32 $0x14280  }
0x7: {  	s5 =	sand.u32 $0x1, s2;
	s29 =	sshll.u32 s0, $0x1;
	s2 =	rddreg [dreg:$0x3]  }
0x8: {  	s19 =	simm.s32 $0x0;
	[smem:$0x7FF] =	sst s3;
	s7 =	sor.u32 s5, s29  }
0x9: {  	s5 =	ssub.s32 $0x2, s5;
	_ =	strace $0x8000004A;
	s8 =	smul.u32 $0x50, s7  }
0xa: {  	s30 =	sshrl.u32 s5, $0x1;
	s31 =	sshll.u32 s7, $0x9;
	s7 =	simm.s32 $0x2  }
0xb: {  	s4 =	sadd.s32 s8, s4;
	s8 =	ssub.s32 s5, s30;
	s5 =	sadd.s32 s6, s31  }
0xc: {  	s4 =	sadd.s32 $0x400, s4;
	s6 =	smax.u32 s8, $0x1;
	s8 =	simm.s32 $0x80  }
.LBB2_1:
0xd: {  	[tilespmem:s3], [sflag:$0x2] =	stream.linear.gather [hbm4b:s4+s3], $0x280, $0x38;
	[tilespmem:$0x15280] =	vst v63  }
0xe: {  	_ =	swait.ge [sflag:s7], $0x280  }
0xf: {  	[sflag:s7] =	ssyncset.done $0x0  }
0x10: {  	[sflag:s7] =	ssyncadd.s32 $0xFFFFFD80  }
0x11: {  	[tilespmem:s9], [sflag:$0x1] =	stream.indirect.gather [hbm4b:s1+s8], $0x80, s3, s8, $0xb8;
	[tilespmem:$0x15280] =	vst v63  }
0x12: {  	_ = 	snop  }
0x13: {  	[tilespmem:s10], [sflag:$0x1] =	stream.indirect.gather [hbm4b:s1+s8], $0x80, s8, s8, $0xb8;
	[tilespmem:$0x15280] =	vst v63  }
0x14: {  	_ = 	snop  }
0x15: {  	[tilespmem:s12], [sflag:$0x1] =	stream.indirect.gather [hbm4b:s1+s8], $0x80, s11, s8, $0xb8;
	[tilespmem:$0x15280] =	vst v63  }
0x16: {  	_ = 	snop  }
0x17: {  	[tilespmem:s14], [sflag:$0x1] =	stream.indirect.gather [hbm4b:s1+s8], $0x80, s13, s8, $0xb8;
	[tilespmem:$0x15280] =	vst v63  }
0x18: {  	_ = 	snop  }
0x19: {  	[tilespmem:s16], [sflag:$0x1] =	stream.indirect.gather [hbm4b:s1+s8], $0x80, s15, s8, $0xb8;
	[tilespmem:$0x15280] =	vst v63  }
0x1a: {  	_ =	swait.ge [sflag:s17], $0x4000  }
0x1b: {  	[sflag:s17] =	ssyncset.done $0x0  }
0x1c: {  	[sflag:s17] =	ssyncadd.s32 $0xFFFFC000  }
0x1d: {  	_ =	swait.ge [sflag:s17], $0x4000  }
0x1e: {  	[sflag:s17] =	ssyncset.done $0x0  }
0x1f: {  	[sflag:s17] =	ssyncadd.s32 $0xFFFFC000  }
0x20: {  	_ =	swait.ge [sflag:s17], $0x4000  }
0x21: {  	[sflag:s17] =	ssyncset.done $0x0  }
0x22: {  	[sflag:s17] =	ssyncadd.s32 $0xFFFFC000  }
0x23: {  	_ =	swait.ge [sflag:s17], $0x4000  }
0x24: {  	[sflag:s17] =	ssyncset.done $0x0  }
0x25: {  	[sflag:s17] =	ssyncadd.s32 $0xFFFFC000  }
0x26: {  	_ =	swait.ge [sflag:s17], $0x4000  }
0x27: {  	[sflag:s17] =	ssyncset.done $0x0  }
0x28: {  	s20 =	simm.s32 $0x780;
	s21 =	simm.s32 $0x0;
	[sflag:s17] =	ssyncadd.s32 $0xFFFFC000  }
.LBB2_2:
0x29: {  	v0 =	vld [tilespmem:s20+$0xFFFFFB00]  }
0x2a: {  	v1 =	vld [tilespmem:s20+$0xFFFFFB10]  }
0x2b: {  	v2 =	vld [tilespmem:s20+$0xFFFFFB20]  }
0x2c: {  	v3 =	vld [tilespmem:s20+$0xFFFFFB30]  }
0x2d: {  	v4 =	vld [tilespmem:s20+$0xFFFFFB40]  }
0x2e: {  	v5 =	vld [tilespmem:s20+$0xFFFFFB50]  }
0x2f: {  	v6 =	vld [tilespmem:s20+$0xFFFFFB60]  }
0x30: {  	v7 =	vld [tilespmem:s20+$0xFFFFFB70]  }
0x31: {  	v8 =	vld [tilespmem:s20+$0xFFFFFB80]  }
0x32: {  	v9 =	vld [tilespmem:s20+$0xFFFFFB90]  }
0x33: {  	v10 =	vld [tilespmem:s20+$0xFFFFFBA0]  }
0x34: {  	v11 =	vld [tilespmem:s20+$0xFFFFFBB0]  }
0x35: {  	v12 =	vld [tilespmem:s20+$0xFFFFFBC0]  }
0x36: {  	v13 =	vld [tilespmem:s20+$0xFFFFFBD0]  }
0x37: {  	v14 =	vld [tilespmem:s20+$0xFFFFFBE0]  }
0x38: {  	v15 =	vld [tilespmem:s20+$0xFFFFFBF0]  }
0x39: {  	v16 =	vld [tilespmem:s20+$0xFFFFFC00]  }
0x3a: {  	v17 =	vld [tilespmem:s20+$0xFFFFFC10]  }
0x3b: {  	v18 =	vld [tilespmem:s20+$0xFFFFFC20]  }
0x3c: {  	v19 =	vld [tilespmem:s20+$0xFFFFFC30]  }
0x3d: {  	v20 =	vld [tilespmem:s20+$0xFFFFFC40]  }
0x3e: {  	v21 =	vld [tilespmem:s20+$0xFFFFFC50]  }
0x3f: {  	v22 =	vld [tilespmem:s20+$0xFFFFFC60]  }
0x40: {  	v23 =	vld [tilespmem:s20+$0xFFFFFC70]  }
0x41: {  	v24 =	vld [tilespmem:s20+$0xFFFFFC80]  }
0x42: {  	v25 =	vld [tilespmem:s20+$0xFFFFFC90]  }
0x43: {  	v26 =	vld [tilespmem:s20+$0xFFFFFCA0]  }
0x44: {  	v27 =	vld [tilespmem:s20+$0xFFFFFCB0]  }
0x45: {  	v28 =	vld [tilespmem:s20+$0xFFFFFCC0]  }
0x46: {  	v29 =	vld [tilespmem:s20+$0xFFFFFCD0]  }
0x47: {  	v30 =	vld [tilespmem:s20+$0xFFFFFCE0]  }
0x48: {  	v31 =	vld [tilespmem:s20+$0xFFFFFCF0]  }
0x49: {  	v32 =	vld [tilespmem:s20+$0xFFFFFD00]  }
0x4a: {  	v33 =	vld [tilespmem:s20+$0xFFFFFD10]  }
0x4b: {  	v34 =	vld [tilespmem:s20+$0xFFFFFD20]  }
0x4c: {  	v35 =	vld [tilespmem:s20+$0xFFFFFD30]  }
0x4d: {  	v36 =	vld [tilespmem:s20+$0xFFFFFD40]  }
0x4e: {  	v37 =	vld [tilespmem:s20+$0xFFFFFD50]  }
0x4f: {  	v38 =	vld [tilespmem:s20+$0xFFFFFD60]  }
0x50: {  	v39 =	vld [tilespmem:s20+$0xFFFFFD70]  }
0x51: {  	v40 =	vld [tilespmem:s20+$0xFFFFFD80]  }
0x52: {  	v41 =	vld [tilespmem:s20+$0xFFFFFD90]  }
0x53: {  	v62 =	vld [tilespmem:s20+$0xFFFFFEE0]  }
0x54: {  	v42 =	vld [tilespmem:s20+$0xFFFFFDA0]  }
0x55: {  	v43 =	vld [tilespmem:s20+$0xFFFFFDB0]  }
0x56: {  	v44 =	vld [tilespmem:s20+$0xFFFFFDC0]  }
0x57: {  	v45 =	vld [tilespmem:s20+$0xFFFFFDD0]  }
0x58: {  	[tilespmem:$0x1FE80] =	vst v62;
	v62 =	vld [tilespmem:s20+$0xFFFFFF00]  }
0x59: {  	v46 =	vld [tilespmem:s20+$0xFFFFFDE0]  }
0x5a: {  	v47 =	vld [tilespmem:s20+$0xFFFFFDF0]  }
0x5b: {  	v48 =	vld [tilespmem:s20+$0xFFFFFE00]  }
0x5c: {  	v49 =	vld [tilespmem:s20+$0xFFFFFE10]  }
0x5d: {  	[tilespmem:$0x1FE90] =	vst v62;
	v62 =	vld [tilespmem:s20+$0xFFFFFF10]  }
0x5e: {  	v50 =	vld [tilespmem:s20+$0xFFFFFE20]  }
0x5f: {  	v51 =	vld [tilespmem:s20+$0xFFFFFE30]  }
0x60: {  	v52 =	vld [tilespmem:s20+$0xFFFFFE40]  }
0x61: {  	v53 =	vld [tilespmem:s20+$0xFFFFFE50]  }
0x62: {  	[tilespmem:$0x1FEA0] =	vst v62;
	v62 =	vld [tilespmem:s20+$0xFFFFFF20]  }
0x63: {  	v54 =	vld [tilespmem:s20+$0xFFFFFE60]  }
0x64: {  	v55 =	vld [tilespmem:s20+$0xFFFFFE70]  }
0x65: {  	v56 =	vld [tilespmem:s20+$0xFFFFFE80]  }
0x66: {  	v57 =	vld [tilespmem:s20+$0xFFFFFE90]  }
0x67: {  	[tilespmem:$0x1FEB0] =	vst v62;
	v62 =	vld [tilespmem:s20+$0xFFFFFF30]  }
0x68: {  	v58 =	vld [tilespmem:s20+$0xFFFFFEA0]  }
0x69: {  	v59 =	vld [tilespmem:s20+$0xFFFFFEB0]  }
0x6a: {  	v60 =	vld [tilespmem:s20+$0xFFFFFEC0]  }
0x6b: {  	v61 =	vld [tilespmem:s20+$0xFFFFFED0]  }
0x6c: {  	v0 =	vadd.f32 $0.0e+00, v0;
	[tilespmem:$0x1FEC0] =	vst v62;
	v62 =	vld [tilespmem:s20+$0xFFFFFF40]  }
0x6d: {  	v63 =	vld [tilespmem:s20+$0xFFFFFEF0];
	v1 =	vadd.f32 $0.0e+00, v1  }
0x6e: {  	v2 =	vadd.f32 $0.0e+00, v2;
	v0 =	vadd.f32 v8, v0;
	v8 =	vld [tilespmem:s20+$0x70]  }
0x6f: {  	v1 =	vadd.f32 v9, v1;
	v9 =	vld [tilespmem:s20+$0x80]  }
0x70: {  	v3 =	vadd.f32 $0.0e+00, v3;
	v2 =	vadd.f32 v10, v2;
	v10 =	vld [tilespmem:s20+$0x90]  }
0x71: {  	v4 =	vadd.f32 $0.0e+00, v4;
	[tilespmem:$0x1FED0] =	vst v62;
	v62 =	vld [tilespmem:s20+$0xFFFFFF50]  }
0x72: {  	v5 =	vadd.f32 $0.0e+00, v5;
	v3 =	vadd.f32 v11, v3;
	v11 =	vld [tilespmem:s20+$0xA0]  }
0x73: {  	v6 =	vadd.f32 $0.0e+00, v6;
	v4 =	vadd.f32 v12, v4;
	v12 =	vld [tilespmem:s20+$0xB0]  }
0x74: {  	v5 =	vadd.f32 v13, v5;
	v13 =	vld [tilespmem:s20+$0xC0]  }
0x75: {  	v7 =	vadd.f32 $0.0e+00, v7;
	v6 =	vadd.f32 v14, v6;
	v14 =	vld [tilespmem:s20+$0xD0]  }
0x76: {  	[tilespmem:$0x1FEE0] =	vst v62;
	v62 =	vld [tilespmem:s20+$0xFFFFFF60]  }
0x77: {  	v7 =	vadd.f32 v15, v7;
	v15 =	vld [tilespmem:s20+$0xE0]  }
0x78: {  	v0 =	vadd.f32 v16, v0;
	v16 =	vld [tilespmem:s20+$0xF0]  }
0x79: {  	v1 =	vadd.f32 v17, v1;
	v17 =	vld [tilespmem:s20+$0x100]  }
0x7a: {  	v2 =	vadd.f32 v18, v2;
	v18 =	vld [tilespmem:s20+$0x110]  }
0x7b: {  	[tilespmem:$0x1FEF0] =	vst v62;
	v62 =	vld [tilespmem:s20+$0xFFFFFF70]  }
0x7c: {  	v3 =	vadd.f32 v19, v3;
	v19 =	vld [tilespmem:s20+$0x120]  }
0x7d: {  	v4 =	vadd.f32 v20, v4;
	v20 =	vld [tilespmem:s20+$0x130]  }
0x7e: {  	v5 =	vadd.f32 v21, v5;
	v21 =	vld [tilespmem:s20+$0x140]  }
0x7f: {  	v6 =	vadd.f32 v22, v6;
	v22 =	vld [tilespmem:s20+$0x150]  }
0x80: {  	[tilespmem:$0x1FF00] =	vst v62;
	v62 =	vld [tilespmem:s20+$0xFFFFFF80]  }
0x81: {  	v7 =	vadd.f32 v23, v7;
	v23 =	vld [tilespmem:s20+$0x160]  }
0x82: {  	v0 =	vadd.f32 v24, v0;
	v24 =	vld [tilespmem:s20+$0x170]  }
0x83: {  	v1 =	vadd.f32 v25, v1;
	v25 =	vld [tilespmem:s20+$0x180]  }
0x84: {  	v2 =	vadd.f32 v26, v2;
	v26 =	vld [tilespmem:s20+$0x190]  }
0x85: {  	[tilespmem:$0x1FF10] =	vst v62;
	v62 =	vld [tilespmem:s20+$0xFFFFFF90]  }
0x86: {  	v3 =	vadd.f32 v27, v3;
	v27 =	vld [tilespmem:s20+$0x1A0]  }
0x87: {  	v4 =	vadd.f32 v28, v4;
	v28 =	vld [tilespmem:s20+$0x1B0]  }
0x88: {  	v5 =	vadd.f32 v29, v5;
	v29 =	vld [tilespmem:s20+$0x1C0]  }
0x89: {  	v6 =	vadd.f32 v30, v6;
	v30 =	vld [tilespmem:s20+$0x1D0]  }
0x8a: {  	[tilespmem:$0x1FF20] =	vst v62;
	v62 =	vld [tilespmem:s20+$0xFFFFFFA0]  }
0x8b: {  	v7 =	vadd.f32 v31, v7;
	v31 =	vld [tilespmem:s20+$0x1E0]  }
0x8c: {  	v0 =	vadd.f32 v32, v0;
	v32 =	vld [tilespmem:s20+$0x1F0]  }
0x8d: {  	v1 =	vadd.f32 v33, v1;
	v33 =	vld [tilespmem:s20+$0x200]  }
0x8e: {  	v2 =	vadd.f32 v34, v2;
	v34 =	vld [tilespmem:s20+$0x210]  }
0x8f: {  	[tilespmem:$0x1FF30] =	vst v62;
	v62 =	vld [tilespmem:s20+$0xFFFFFFB0]  }
0x90: {  	v3 =	vadd.f32 v35, v3;
	v35 =	vld [tilespmem:s20+$0x220]  }
0x91: {  	v4 =	vadd.f32 v36, v4;
	v36 =	vld [tilespmem:s20+$0x230]  }
0x92: {  	v5 =	vadd.f32 v37, v5;
	v37 =	vld [tilespmem:s20+$0x240]  }
0x93: {  	v6 =	vadd.f32 v38, v6;
	v38 =	vld [tilespmem:s20+$0x250]  }
0x94: {  	[tilespmem:$0x1FF40] =	vst v62;
	v62 =	vld [tilespmem:s20+$0xFFFFFFC0]  }
0x95: {  	v0 =	vadd.f32 v40, v0;
	v40 =	vld [tilespmem:$0x1FE80]  }
0x96: {  	v7 =	vadd.f32 v39, v7;
	v39 =	vld [tilespmem:s20+$0x260];
	v6 =	vadd.f32 v46, v6  }
0x97: {  	v1 =	vadd.f32 v41, v1;
	v2 =	vadd.f32 v42, v2;
	v41 =	vld [tilespmem:$0x1FE90]  }
0x98: {  	v42 =	vld [tilespmem:$0x1FEA0];
	v0 =	vadd.f32 v48, v0;
	v6 =	vadd.f32 v54, v6  }
0x99: {  	v1 =	vadd.f32 v49, v1;
	[tilespmem:$0x1FF50] =	vst v62;
	v62 =	vld [tilespmem:s20+$0xFFFFFFD0]  }
0x9a: {  	v0 =	vadd.f32 v56, v0;
	v6 =	vadd.f32 v40, v6;
	v40 =	vld [tilespmem:s20+$0x270]  }
0x9b: {  	v3 =	vadd.f32 v43, v3;
	v1 =	vadd.f32 v57, v1;
	v43 =	vld [tilespmem:$0x1FEB0]  }
0x9c: {  	v0 =	vadd.f32 v41, v0;
	v41 =	vld [tilespmem:s20+$0x280]  }
0x9d: {  	v2 =	vadd.f32 v50, v2;
	v1 =	vadd.f32 v42, v1;
	v42 =	vld [tilespmem:s20+$0x290]  }
0x9e: {  	[tilespmem:$0x1FF60] =	vst v62;
	v62 =	vld [tilespmem:s20+$0xFFFFFFE0]  }
0x9f: {  	v4 =	vadd.f32 v44, v4;
	v2 =	vadd.f32 v58, v2;
	v44 =	vld [tilespmem:$0x1FEC0]  }
0xa0: {  	v5 =	vadd.f32 v45, v5;
	v3 =	vadd.f32 v51, v3;
	v45 =	vld [tilespmem:$0x1FED0]  }
0xa1: {  	v4 =	vadd.f32 v52, v4;
	v2 =	vadd.f32 v43, v2;
	v43 =	vld [tilespmem:s20+$0x2A0]  }
0xa2: {  	v3 =	vadd.f32 v59, v3;
	v46 =	vld [tilespmem:$0x1FEE0]  }
0xa3: {  	v5 =	vadd.f32 v53, v5;
	v4 =	vadd.f32 v60, v4;
	[tilespmem:$0x1FF70] =	vst v62;
	v62 =	vld [tilespmem:s20+$0xFFFFFFF0]  }
0xa4: {  	v3 =	vadd.f32 v44, v3;
	v44 =	vld [tilespmem:s20+$0x2B0]  }
0xa5: {  	v5 =	vadd.f32 v61, v5;
	v4 =	vadd.f32 v45, v4;
	v45 =	vld [tilespmem:s20+$0x2C0]  }
0xa6: {  	v7 =	vadd.f32 v47, v7;
	v47 =	vld [tilespmem:$0x1FEF0]  }
0xa7: {  	v5 =	vadd.f32 v46, v5;
	v46 =	vld [tilespmem:s20+$0x2D0]  }
0xa8: {  	[tilespmem:$0x1FF80] =	vst v62;
	v62 =	vld [tilespmem:s20+$0x0]  }
0xa9: {  	v48 =	vld [tilespmem:$0x1FF00]  }
0xaa: {  	v7 =	vadd.f32 v55, v7;
	v49 =	vld [tilespmem:$0x1FF10]  }
0xab: {  	v6 =	vadd.f32 v47, v6;
	v47 =	vld [tilespmem:s20+$0x2E0]  }
0xac: {  	v7 =	vadd.f32 v63, v7;
	v50 =	vld [tilespmem:$0x1FF20]  }
0xad: {  	[tilespmem:$0x1FF90] =	vst v62;
	v62 =	vld [tilespmem:s20+$0x10]  }
0xae: {  	v7 =	vadd.f32 v48, v7;
	v48 =	vld [tilespmem:s20+$0x2F0]  }
0xaf: {  	v0 =	vadd.f32 v49, v0;
	v49 =	vld [tilespmem:s20+$0x440]  }
0xb0: {  	v51 =	vld [tilespmem:$0x1FF30]  }
0xb1: {  	v1 =	vadd.f32 v50, v1;
	v50 =	vld [tilespmem:s20+$0x450]  }
0xb2: {  	[tilespmem:$0x1FFA0] =	vst v62;
	v62 =	vld [tilespmem:s20+$0x20]  }
0xb3: {  	v52 =	vld [tilespmem:$0x1FF40]  }
0xb4: {  	v56 =	vld [tilespmem:$0x1FF80]  }
0xb5: {  	v53 =	vld [tilespmem:$0x1FF50]  }
0xb6: {  	v57 =	vld [tilespmem:$0x1FF90]  }
0xb7: {  	[tilespmem:$0x1FFB0] =	vst v62;
	v62 =	vld [tilespmem:s20+$0x30]  }
0xb8: {  	v54 =	vld [tilespmem:$0x1FF60]  }
0xb9: {  	v7 =	vadd.f32 v56, v7;
	v58 =	vld [tilespmem:$0x1FFA0]  }
0xba: {  	v2 =	vadd.f32 v51, v2;
	v51 =	vld [tilespmem:s20+$0x460]  }
0xbb: {  	v55 =	vld [tilespmem:$0x1FF70];
	v7 =	vadd.f32 v8, v7;
	v0 =	vadd.f32 v57, v0  }
0xbc: {  	v3 =	vadd.f32 v52, v3;
	v4 =	vadd.f32 v53, v4;
	[tilespmem:$0x1FFC0] =	vst v62;
	v62 =	vld [tilespmem:s20+$0x40]  }
0xbd: {  	v7 =	vadd.f32 v16, v7;
	v0 =	vadd.f32 v9, v0;
	v59 =	vld [tilespmem:$0x1FFB0]  }
0xbe: {  	v52 =	vld [tilespmem:s20+$0x300];
	v5 =	vadd.f32 v54, v5;
	v1 =	vadd.f32 v58, v1  }
0xbf: {  	v53 =	vld [tilespmem:s20+$0x310];
	v7 =	vadd.f32 v24, v7;
	v0 =	vadd.f32 v17, v0  }
0xc0: {  	v54 =	vld [tilespmem:s20+$0x320];
	v6 =	vadd.f32 v55, v6;
	v1 =	vadd.f32 v10, v1  }
0xc1: {  	v7 =	vadd.f32 v32, v7;
	v0 =	vadd.f32 v25, v0;
	[tilespmem:$0x1FFD0] =	vst v62;
	v62 =	vld [tilespmem:s20+$0x50]  }
0xc2: {  	v1 =	vadd.f32 v18, v1;
	v2 =	vadd.f32 v59, v2;
	v60 =	vld [tilespmem:$0x1FFC0]  }
0xc3: {  	v55 =	vld [tilespmem:s20+$0x330];
	v7 =	vadd.f32 v40, v7;
	v0 =	vadd.f32 v33, v0  }
0xc4: {  	v59 =	vld [tilespmem:s20+$0x370];
	v1 =	vadd.f32 v26, v1;
	v2 =	vadd.f32 v11, v2  }
0xc5: {  	v7 =	vadd.f32 v48, v7;
	v0 =	vadd.f32 v41, v0;
	v61 =	vld [tilespmem:$0x1FFD0]  }
0xc6: {  	v1 =	vadd.f32 v34, v1;
	v2 =	vadd.f32 v19, v2;
	[tilespmem:$0x1FFE0] =	vst v62;
	v62 =	vld [tilespmem:s20+$0x60]  }
0xc7: {  	v0 =	vadd.f32 v52, v0;
	v3 =	vadd.f32 v60, v3;
	v60 =	vld [tilespmem:s20+$0x380]  }
0xc8: {  	v56 =	vld [tilespmem:s20+$0x340];
	v1 =	vadd.f32 v42, v1;
	v2 =	vadd.f32 v27, v2  }
0xc9: {  	v40 =	vld [tilespmem:s20+$0x400];
	v7 =	vadd.f32 v59, v7;
	v3 =	vadd.f32 v12, v3  }
0xca: {  	v1 =	vadd.f32 v53, v1;
	v53 =	vld [tilespmem:s20+$0x480];
	v2 =	vadd.f32 v35, v2  }
0xcb: {  	v3 =	vadd.f32 v20, v3;
	v4 =	vadd.f32 v61, v4;
	[tilespmem:$0x1FFF0] =	vst v62;
	v62 =	vld [tilespmem:$0x1FFE0]  }
0xcc: {  	v61 =	vld [tilespmem:s20+$0x390];
	v2 =	vadd.f32 v43, v2;
	v0 =	vadd.f32 v60, v0  }
0xcd: {  	v3 =	vadd.f32 v28, v3;
	v4 =	vadd.f32 v13, v4;
	v63 =	vld [tilespmem:$0x1FFF0]  }
0xce: {  	v57 =	vld [tilespmem:s20+$0x350];
	v2 =	vadd.f32 v54, v2;
	v0 =	vadd.f32 v40, v0  }
0xcf: {  	v32 =	vld [tilespmem:s20+$0x3C0];
	v3 =	vadd.f32 v36, v3;
	v4 =	vadd.f32 v21, v4  }
0xd0: {  	v42 =	vld [tilespmem:s20+$0x410];
	v0 =	vadd.f32 v53, v0;
	v5 =	vadd.f32 v62, v5  }
0xd1: {  	v58 =	vld [tilespmem:s20+$0x360];
	v3 =	vadd.f32 v44, v3;
	v1 =	vadd.f32 v61, v1  }
0xd2: {  	v54 =	vld [tilespmem:s20+$0x490];
	v6 =	vadd.f32 v63, v6;
	v5 =	vadd.f32 v14, v5  }
0xd3: {  	v52 =	vld [tilespmem:s20+$0x470];
	v4 =	vadd.f32 v29, v4;
	v3 =	vadd.f32 v55, v3  }
0xd4: {  	v62 =	vld [tilespmem:s20+$0x3A0];
	v6 =	vadd.f32 v15, v6;
	v5 =	vadd.f32 v22, v5  }
0xd5: {  	v34 =	vld [tilespmem:s20+$0x3D0];
	v1 =	vadd.f32 v42, v1;
	v4 =	vadd.f32 v37, v4  }
0xd6: {  	v63 =	vld [tilespmem:s20+$0x3B0];
	v6 =	vadd.f32 v23, v6;
	v5 =	vadd.f32 v30, v5  }
0xd7: {  	v44 =	vld [tilespmem:s20+$0x420];
	v1 =	vadd.f32 v54, v1;
	v4 =	vadd.f32 v45, v4  }
0xd8: {  	v55 =	vld [tilespmem:s20+$0x4A0];
	v6 =	vadd.f32 v31, v6;
	v5 =	vadd.f32 v38, v5  }
0xd9: {  	v4 =	vadd.f32 v56, v4;
	v2 =	vadd.f32 v62, v2;
	v38 =	vld [tilespmem:s20+$0x3F0]  }
0xda: {  	v6 =	vadd.f32 v39, v6;
	v5 =	vadd.f32 v46, v5;
	v46 =	vld [tilespmem:s20+$0x430]  }
0xdb: {  	v36 =	vld [tilespmem:s20+$0x3E0];
	v4 =	vadd.f32 v32, v4;
	v3 =	vadd.f32 v63, v3  }
0xdc: {  	v56 =	vld [tilespmem:s20+$0x4B0];
	v2 =	vadd.f32 v44, v2;
	v6 =	vadd.f32 v47, v6  }
0xdd: {  	v4 =	vadd.f32 v49, v4;
	v5 =	vadd.f32 v57, v5;
	v57 =	vld [tilespmem:s20+$0x4C0]  }
0xde: {  	v60 =	vld [tilespmem:s20+$0x4F0];
	v2 =	vadd.f32 v55, v2;
	v6 =	vadd.f32 v58, v6  }
0xdf: {  	s22 =	sshra.s32 s21, $0x2;
	v7 =	vadd.f32 v38, v7;
	v58 =	vld [tilespmem:s20+$0x4D0];
	v3 =	vadd.f32 v46, v3  }
0xe0: {  	v59 =	vld [tilespmem:s20+$0x4E0];
	[tilespmem:s22+$0x14280] =	vst v0;
	v5 =	vadd.f32 v34, v5;
	v6 =	vadd.f32 v36, v6  }
0xe1: {  	[tilespmem:s22+$0x14290] =	vst v1;
	v63 =	vadd.f32 v52, v7;
	v3 =	vadd.f32 v56, v3  }
0xe2: {  	p0 =	sne.s32 s21, $0x3E00;
	[tilespmem:s22+$0x142A0] =	vst v2;
	v61 =	vadd.f32 v50, v5;
	v4 =	vadd.f32 v57, v4  }
.Ltmp0:
0xe3: {  	v62 =	vadd.f32 v51, v6;
	v2 =	vadd.f32 v60, v63;
	[tilespmem:s22+$0x142B0] =	vst v3;
	(pc) =	sbr.rel @p0 .LBB2_2-.Ltmp0, $4  }
0xe4: {  	v0 =	vadd.f32 v58, v61;
	[tilespmem:s22+$0x142C0] =	vst v4  }
0xe5: {  	v1 =	vadd.f32 v59, v62;
	[tilespmem:s22+$0x142F0] =	vst v2  }
0xe6: {  	[tilespmem:s22+$0x142D0] =	vst v0  }
0xe7: {  	s21 =	sadd.s32 $0x200, s21;
	s20 =	sadd.s32 $0xA00, s20;
	[tilespmem:s22+$0x142E0] =	vst v1  }
0xe8: {  	s19 =	sadd.s32 $0x1, s19  }
0xe9: {  	p0 =	sne.s32 s19, s6  }
.Ltmp1:
0xea: {  	_ = 	snop;
	(pc) =	sbr.rel @p0 .LBB2_1-.Ltmp1, $4  }
0xeb: {  	[hbm4b:s5+s3] =	stream.linear.scatter [tilespmem:s18], [sflag:$0x2], $0x1000, $0x38;
	[tilespmem:$0x15280] =	vst v63  }
0xec: {  	_ =	swait.ge [sflag:s7], $0x1000  }
0xed: {  	[sflag:s7] =	ssyncset.done $0x0  }
0xee: {  	[sflag:s7] =	ssyncadd.s32 $0xFFFFF000  }
0xef: {  	_ =	sfence.sel $0x180000  }
0xf0: {  	[bflag:$0x0] =	sbarrier.arrive $0xFFFF  }
0xf1: {  	p0 =	sne.s32 s0, $0x0;
	_ =	strace $0x9000004A  }
0xf2: {  	s0 =	sadd.s32 @!p0 $0x100000, s2;
	[bflag:$0x2] =	sbarrier.arrive $0xFFFF  }
0xf3: {  	[sflag:s0] =	ssyncadd.tile.s32 @!p0 $0x1;
	_ =	shalt  }
.Lfunc_end2:
_tile_overlayer_lowered:
.L_overlay_start_2:
0xf4: {  	(tag) =	ssettag $0x2  }
0xf5: {  	s0 =	rddreg [dreg:$0x0];
	s2 =	stileid.u32  }
0xf6: {  	s1 =	rddreg [dreg:$0x1];
	p0 =	sne.s32 s2, $0x0  }
0xf7: {  	s3 =	rddreg [dreg:$0x2];
	[bflag:$0x3] =	sbarrier.arrive $0xFFFF;
	s2 =	simm.s32 @!p0 $0x1C02  }
0xf8: {  	[timem:s3], [sflag:s2] =	dma.local @!p0 [hbm:s0], s1  }
0xf9: {  	s0 =	simm.s32 @!p0 $0x2  }
0xfa: {  	_ =	swait.ge @!p0 [sflag:s0], s1  }
0xfb: {  	s1 =	ssub.s32 @!p0 $0x0, s1;
	[sflag:s0] =	ssyncset.done @!p0 $0x0  }
0xfc: {  	[sflag:s0] =	ssyncadd.s32 @!p0 s1  }
0xfd: {  	[bflag:$0x3] =	sbarrier.arrive $0xFFFF  }
0xfe: {  	_ =	shalt  }

// kernel: kernel.7.cloned.1.call-start
scs
__scs_entry_jumppad:
0x0: {  	(pc) =	sbr.rel $0x88, $3  }
0x1: {  	(tag) =	ssettag $0x0;
	lr =	simm.s32 $0x1  }
0x2: {  	[smem:$0x3F9B] =	sst lr;
	_ =	strace $0xD0000000  }
0x3: {  	_ = 	snop  }
0x4: {  	_ = 	snop  }
0x5: {  	_ = 	snop  }
0x6: {  	_ = 	snop  }
0x7: {  	_ = 	snop  }
__scs_overlays_trampoline_lowered:
0x8: {  	[smem:$0x3FAA] =	sst s0  }
0x9: {  	[smem:$0x3FAB] =	sst s1  }
0xa: {  	[smem:$0x3FAC] =	sst s2  }
0xb: {  	[smem:$0x3FAD] =	sst s3  }
0xc: {  	[smem:$0x3FAE] =	sst s4  }
0xd: {  	[smem:$0x3FAF] =	sst s5  }
0xe: {  	[smem:$0x3FB0] =	sst s6  }
0xf: {  	[smem:$0x3FB1] =	sst s7  }
0x10: {  	[smem:$0x3FB2] =	sst s8  }
0x11: {  	[smem:$0x3FB3] =	sst s9;
	s0 =	simm.s32 @!p0 $0x0  }
0x12: {  	s1 =	sld [smem:$0x3F99];
	s0 =	simm.s32 @p0 $0x1  }
0x13: {  	[smem:$0x3FB4] =	sst s0;
	s0 =	simm.s32 @!p1 $0x0  }
0x14: {  	s2 =	sld [smem:$0x3F98];
	s0 =	simm.s32 @p1 $0x1  }
0x15: {  	[smem:$0x3FB5] =	sst s0;
	s0 =	simm.s32 @!p2 $0x0  }
0x16: {  	s3 =	sld [smem:$0x3FDB];
	s0 =	simm.s32 @p2 $0x1  }
0x17: {  	s4 =	simm.s32 $0x1BF5;
	[smem:$0x3FB7] =	sst s0  }
0x18: {  	s0 =	sld [smem:$0x3F9A];
	_ =	swait.ge [sflag:s4], $0x0  }
0x19: {  	s7 =	sld [smem:$0x3F9B]  }
0x1a: {  	s8 =	sadd.s32 $0xFFFFE003, lr  }
0x1b: {  	s9 =	sadd.s32 $0xFFFFFEF7, lr;
	s5 =	simm.s32 $0xFFFFFFFF;
	p2 =	slt.u32 s8, $0xFFFFF086  }
0x1c: {  	p1 =	slt.u32 s9, $0xF7A;
	s5 =	simm.s32 @!p2 $0x0  }
0x1d: {  	s5 =	simm.s32 @p1 $0x1;
	p0 =	seq.s32 s7, s2  }
0x1e: {  	s7 =	smul.u32 @!p0 $0xF7A, s2;
	p2 =	seq.s32 @!p0 s5, $0x0  }
0x1f: {  	s9 =	smul.u32 $0xF7A, s1;
	s8 =	simm.s32 @!p0 $0x1BF5;
	p2 =	por !p2, p0  }
0x20: {  	[sflag:s8] =	ssyncset.s32 @!p0 $0xFFFFF086;
	s6 =	sadd.s32 @!p0 s3, s7;
	s7 =	simm.s32 @!p0 $0x108  }
0x21: {  	s3 =	sadd.s32 s3, s9;
	s6 =	sadd.s32 @!p0 $0x88, s6;
	s7 =	simm.s32 @p2 $0x1082  }
0x22: {  	[simem:s7], [sflag:s8] =	dma.local @!p0 [hbm:s6], $0xF7A  }
0x23: {  	s9 =	sor.u32 $0xD0000000, s2;
	s6 =	simm.s32 $0x108;
	_ =	swait.ge @!p0 [sflag:s8], $0x0  }
0x24: {  	s3 =	sadd.s32 $0x88, s3;
	s6 =	simm.s32 @!p1 $0x1082;
	[sflag:s4] =	ssyncset.s32 $0xFFFFF086  }
0x25: {  	[simem:s6], [sflag:s4] =	dma.local [hbm:s3], $0xF7A  }
0x26: {  	[smem:$0x3F9B] =	sst s1;
	(tag) =	ssettag s2;
	_ =	strace s9  }
0x27: {  	s1 =	sld [smem:$0x3FAB]  }
0x28: {  	s2 =	sld [smem:$0x3FAC]  }
0x29: {  	s4 =	sld [smem:$0x3FAE]  }
0x2a: {  	p0 =	seq.s32 s5, $0x0;
	s5 =	sld [smem:$0x3FAF]  }
0x2b: {  	s6 =	sld [smem:$0x3FB0]  }
0x2c: {  	s7 =	sld [smem:$0x3FB1]  }
0x2d: {  	s3 =	simm.s32 $0x108;
	s8 =	sld [smem:$0x3FB2]  }
0x2e: {  	s3 =	simm.s32 @!p0 $0x1082;
	s9 =	sld [smem:$0x3FB3]  }
0x2f: {  	lr =	sadd.s32 s0, s3;
	s0 =	sld [smem:$0x3FAA]  }
0x30: {  	s3 =	sld [smem:$0x3FAD]  }
0x31: {  	[smem:$0x3FB6] =	sst s10  }
0x32: {  	s10 =	sld [smem:$0x3FB4];
	_ =	sdelay $0x3  }
0x33: {  	p0 =	seq.s32 s10, $0x1;
	s10 =	sld [smem:$0x3FB6];
	_ =	sdelay $0x3  }
0x34: {  	[smem:$0x3FB6] =	sst s10  }
0x35: {  	s10 =	sld [smem:$0x3FB5];
	_ =	sdelay $0x3  }
0x36: {  	p1 =	seq.s32 s10, $0x1;
	s10 =	sld [smem:$0x3FB6];
	_ =	sdelay $0x3  }
0x37: {  	[smem:$0x3FB6] =	sst s10  }
0x38: {  	s10 =	sld [smem:$0x3FB7]  }
0x39: {  	_ = 	snop;
	(pc) =	sbr.ind lr, $3  }
0x3a: {  	_ = 	snop  }
0x3b: {  	_ = 	snop  }
0x3c: {  	p2 =	seq.s32 s10, $0x1;
	s10 =	sld [smem:$0x3FB6]  }
0x3d: {  	_ =	shalt  }
0x3e: {  	_ =	shalt  }
0x3f: {  	_ =	shalt  }
0x40: {  	_ =	shalt  }
0x41: {  	_ =	shalt  }
0x42: {  	_ =	shalt  }
0x43: {  	_ =	shalt  }
0x44: {  	_ =	shalt  }
0x45: {  	_ =	shalt  }
0x46: {  	_ =	shalt  }
0x47: {  	_ =	shalt  }
0x48: {  	_ =	shalt  }
0x49: {  	_ =	shalt  }
0x4a: {  	_ =	shalt  }
0x4b: {  	_ =	shalt  }
0x4c: {  	_ =	shalt  }
0x4d: {  	_ =	shalt  }
0x4e: {  	_ =	shalt  }
0x4f: {  	_ =	shalt  }
0x50: {  	_ =	shalt  }
0x51: {  	_ =	shalt  }
0x52: {  	_ =	shalt  }
0x53: {  	_ =	shalt  }
0x54: {  	_ =	shalt  }
0x55: {  	_ =	shalt  }
0x56: {  	_ =	shalt  }
0x57: {  	_ =	shalt  }
0x58: {  	_ =	shalt  }
0x59: {  	_ =	shalt  }
0x5a: {  	_ =	shalt  }
0x5b: {  	_ =	shalt  }
0x5c: {  	_ =	shalt  }
0x5d: {  	_ =	shalt  }
0x5e: {  	_ =	shalt  }
0x5f: {  	_ =	shalt  }
0x60: {  	_ =	shalt  }
0x61: {  	_ =	shalt  }
0x62: {  	_ =	shalt  }
0x63: {  	_ =	shalt  }
0x64: {  	_ =	shalt  }
0x65: {  	_ =	shalt  }
0x66: {  	_ =	shalt  }
0x67: {  	_ =	shalt  }
0x68: {  	_ =	shalt  }
0x69: {  	_ =	shalt  }
0x6a: {  	_ =	shalt  }
0x6b: {  	_ =	shalt  }
0x6c: {  	_ =	shalt  }
0x6d: {  	_ =	shalt  }
0x6e: {  	_ =	shalt  }
0x6f: {  	_ =	shalt  }
0x70: {  	_ =	shalt  }
0x71: {  	_ =	shalt  }
0x72: {  	_ =	shalt  }
0x73: {  	_ =	shalt  }
0x74: {  	_ =	shalt  }
0x75: {  	_ =	shalt  }
0x76: {  	_ =	shalt  }
0x77: {  	_ =	shalt  }
0x78: {  	_ =	shalt  }
0x79: {  	_ =	shalt  }
0x7a: {  	_ =	shalt  }
0x7b: {  	_ =	shalt  }
0x7c: {  	_ =	shalt  }
0x7d: {  	_ =	shalt  }
0x7e: {  	_ =	shalt  }
0x7f: {  	_ =	shalt  }
0x80: {  	_ =	shalt  }
0x81: {  	_ =	shalt  }
0x82: {  	_ =	shalt  }
0x83: {  	_ =	shalt  }
0x84: {  	_ =	shalt  }
0x85: {  	_ =	shalt  }
0x86: {  	_ =	shalt  }
0x87: {  	_ =	shalt  }
.Lfunc_end0:
.L_simem_size_0:
called_computation_lowered:
.L_overlay_start_0:
0x88: {  	s2 =	sld [smem:$0x3FD9]  }
0x89: {  	s3 =	sld [smem:$0x3FFE];
	_ =	sdelay $0x1  }
0x8a: {  	s1 =	srdreg.scid  }
0x8b: {  	s0 =	sand.u32 $0x1, s1  }
0x8c: {  	s17 =	sshll.u32 s0, $0xA;
	s2 =	sadd.s32 s3, s2  }
0x8d: {  	s2 =	sadd.s32 s2, s17  }
0x8e: {  	[smem:$0x3FC2] =	sst s2  }
0x8f: {  	_ = 	snop  }
0x90: {  	s2 =	sld [smem:$0x3FC7]  }
0x91: {  	s18 =	sld [smem:$0x3FD0];
	(tm) =	ssettm $0x1  }
0x92: {  	s4 =	sld [smem:$0x3FFB];
	_ =	sdelay $0x3  }
0x93: {  	_ =	strace s4  }
0x94: {  	s4 =	sld [smem:$0x3FFC];
	_ =	sdelay $0x3  }
0x95: {  	_ =	strace s4  }
0x96: {  	s4 =	sld [smem:$0x3FFD];
	_ =	sdelay $0x3  }
0x97: {  	_ =	strace s4  }
0x98: {  	_ =	strace $0x8FFFFFFF  }
0x99: {  	s19 =	sld [smem:$0x3FDB];
	_ =	sdelay $0x1  }
0x9a: {  	s5 =	simm.s32 $_scs_section_size  }
0x9b: {  	s6 =	simm.s32 $_size__tile_overlayer_lowered;
	s7 =	simm.s32 $_tile_overlayer_lowered  }
0x9c: {  	s22 =	simm.s32 $0x1BFF;
	s21 =	sshll.u32 s7, $0x1;
	s4 =	sadd.s32 s5, s19  }
0x9d: {  	s8 =	simm.s32 $0x0;
	s20 =	sshll.u32 s6, $0x1;
	s6 =	sadd.s32 s21, s4  }
0x9e: {  	[timem:s8], [sflag:s22] =	dma.local [hbm:s6], s20  }
0x9f: {  	_ =	swait.ge [sflag:s22], s20  }
0xa0: {  	s5 =	ssub.s32 $0x0, s20;
	[sflag:s22] =	ssyncset.done $0x0  }
0xa1: {  	[sflag:s22] =	ssyncadd.s32 s5;
	_ =	sdelay $0x1  }
0xa2: {  	s23 =	simm.s32 $0x1B8B  }
0xa3: {  	_ =	swait.ge [sflag:s23], $0x1  }
0xa4: {  	[sflag:s23] =	ssyncset.done $0x0  }
0xa5: {  	s25 =	simm.s32 $0x1B8E;
	s24 =	sld [smem:$0x3FFE];
	[sflag:s23] =	ssyncadd.s32 $0xFFFFFFFF  }
0xa6: {  	s26 =	simm.s32 $execute0_lowered;
	[smem:$0x3FD2] =	sst s25  }
0xa7: {  	s6 =	sshll.u32 s26, $0x1;
	_ =	strace $0x80000046;
	[dreg:$0x1] =	wrdreg $0xFFFFFFFF  }
0xa8: {  	s28 =	simm.s32 $_size_execute0_lowered;
	s4 =	sadd.s32 s4, s6;
	[dreg:$0x0] =	wrdreg $0x0  }
0xa9: {  	s6 =	sshll.u32 s28, $0x1;
	[dreg:$0x2] =	wrdreg s4  }
0xaa: {  	[dreg:$0x3] =	wrdreg s6  }
0xab: {  	[dreg:$0x4] =	wrdreg $0xC0  }
0xac: {  	_ =	task [dreg:s8], $0x5FFFF  }
0xad: {  	[dreg:$0x1] =	wrdreg $0xFFFFFFFF  }
0xae: {  	[dreg:$0x0] =	wrdreg $0x60  }
0xaf: {  	[dreg:$0x2] =	wrdreg s2  }
0xb0: {  	[dreg:$0x3] =	wrdreg s18  }
0xb1: {  	[dreg:$0x4] =	wrdreg s24  }
0xb2: {  	[dreg:$0x5] =	wrdreg $0x9  }
0xb3: {  	_ =	task.clear_ibuf [dreg:s8], $0x6FFFF;
	_ =	strace $0x90000046  }
0xb4: {  	s29 =	simm.s32 $0x9;
	_ =	strace $0x80000048  }
0xb5: {  	_ =	swait.ge [sflag:s29], $0x1  }
0xb6: {  	[sflag:s29] =	ssyncadd.s32 $0xFFFFFFFF  }
0xb7: {  	_ =	strace $0x90000048  }
0xb8: {  	_ =	sfence  }
0xb9: {  	s30 =	sld [smem:$0x0];
	_ =	sdelay $0x2  }
0xba: {  	s31 =	sshll.u32 s1, $0xD;
	s1 =	sshrl.u32 s1, $0x2  }
0xbb: {  	s3 =	sand.u32 $0x4000, s31;
	s1 =	sadd.s32 s1, s30  }
0xbc: {  	s0 =	sor.u32 s3, s0;
	s1 =	sshll.u32 s1, $0x11  }
0xbd: {  	s0 =	sor.u32 s1, s0  }
0xbe: {  	s0 =	sadd.s32 $0x8F2B, s0  }
0xbf: {  	[sflag:s0] =	ssyncadd.remote.s32 $0x1  }
0xc0: {  	_ =	sfence.sel $0xFFFF  }
0xc1: {  	[dreg:$0x0] =	wrdreg $0xFFFFFFFF;
	(pc) =	sbr.abs _section_cstart, $3  }
0xc2: {  	[dreg:$0x1] =	wrdreg $0xFFFFFFFF  }
0xc3: {  	_ =	task.clear_ibuf [dreg:s8], $0x2FFFF;
	_ =	strace $0x9FFFFFFF  }
0xc4: {  	(tm) =	ssettm $0x7FFFFFFF  }
0xc5: {  	_ =	shalt  }
tec
execute0_lowered:
.L_overlay_start_1:
0x0: {  	(tag) =	ssettag $0x1  }
0x1: {  	s1 =	rddreg [dreg:$0x0]  }
0x2: {  	s2 =	srdreg.scid;
	s0 =	stileid.u32  }
0x3: {  	s4 =	rddreg [dreg:$0x1];
	s16 =	sand.u32 $0x1, s2;
	s29 =	sshll.u32 s0, $0x1  }
0x4: {  	s17 =	rddreg [dreg:$0x2];
	s18 =	sor.u32 s16, s29  }
0x5: {  	s3 =	simm.s32 $0x0;
	s2 =	rddreg [dreg:$0x3];
	s5 =	smul.u32 $0x50, s18  }
0x6: {  	[smem:$0x7FF] =	sst s3  }
0x7: {  	_ =	strace $0x80000047;
	s5 =	sadd.s32 s4, s5;
	s4 =	simm.s32 $0x2  }
0x8: {  	[tilespmem:s3], [sflag:$0x2] =	stream.linear.gather [hbm4b:s5+s3], $0x280, $0x38;
	[tilespmem:$0x14280] =	vst v63  }
0x9: {  	_ =	swait.ge [sflag:s4], $0x280  }
0xa: {  	[sflag:s4] =	ssyncset.done $0x0  }
0xb: {  	s6 =	simm.s32 $0x80;
	s7 =	simm.s32 $0x280;
	[sflag:s4] =	ssyncadd.s32 $0xFFFFFD80  }
0xc: {  	[tilespmem:s7], [sflag:$0x1] =	stream.indirect.gather [hbm4b:s1+s6], $0x80, s3, s6, $0xb8;
	[tilespmem:$0x14280] =	vst v63  }
0xd: {  	s8 =	simm.s32 $0x4280  }
0xe: {  	[tilespmem:s8], [sflag:$0x1] =	stream.indirect.gather [hbm4b:s1+s6], $0x80, s6, s6, $0xb8;
	[tilespmem:$0x14280] =	vst v63  }
0xf: {  	s9 =	simm.s32 $0x100;
	s10 =	simm.s32 $0x8280  }
0x10: {  	[tilespmem:s10], [sflag:$0x1] =	stream.indirect.gather [hbm4b:s1+s6], $0x80, s9, s6, $0xb8;
	[tilespmem:$0x14280] =	vst v63  }
0x11: {  	s11 =	simm.s32 $0x180;
	s12 =	simm.s32 $0xC280  }
0x12: {  	[tilespmem:s12], [sflag:$0x1] =	stream.indirect.gather [hbm4b:s1+s6], $0x80, s11, s6, $0xb8;
	[tilespmem:$0x14280] =	vst v63  }
0x13: {  	s13 =	simm.s32 $0x200;
	s14 =	simm.s32 $0x10280;
	s15 =	simm.s32 $0x1  }
0x14: {  	[tilespmem:s14], [sflag:$0x1] =	stream.indirect.gather [hbm4b:s1+s6], $0x80, s13, s6, $0xb8;
	[tilespmem:$0x14280] =	vst v63  }
0x15: {  	_ =	swait.ge [sflag:s15], $0x4000  }
0x16: {  	[sflag:s15] =	ssyncset.done $0x0  }
0x17: {  	[sflag:s15] =	ssyncadd.s32 $0xFFFFC000  }
0x18: {  	_ =	swait.ge [sflag:s15], $0x4000  }
0x19: {  	[sflag:s15] =	ssyncset.done $0x0  }
0x1a: {  	[sflag:s15] =	ssyncadd.s32 $0xFFFFC000  }
0x1b: {  	_ =	swait.ge [sflag:s15], $0x4000  }
0x1c: {  	[sflag:s15] =	ssyncset.done $0x0  }
0x1d: {  	s16 =	ssub.s32 $0x2, s16;
	[sflag:s15] =	ssyncadd.s32 $0xFFFFC000  }
0x1e: {  	s19 =	sshrl.u32 s16, $0x1;
	_ =	swait.ge [sflag:s15], $0x4000  }
0x1f: {  	s30 =	ssub.s32 s16, s19;
	[sflag:s15] =	ssyncset.done $0x0  }
0x20: {  	s18 =	smul.u32 $0x2800, s18;
	s31 =	smax.u32 s30, $0x1;
	[sflag:s15] =	ssyncadd.s32 $0xFFFFC000  }
0x21: {  	p0 =	sne.s32 s31, $0x1;
	_ =	swait.ge [sflag:s15], $0x4000  }
.Ltmp0:
0x22: {  	s17 =	sadd.s32 s18, s17;
	[sflag:s15] =	ssyncset.done $0x0;
	(pc) =	sbr.rel @!p0 .LBB2_2-.Ltmp0, $4  }
0x23: {  	s16 =	sadd.s32 $0x400, s17;
	[sflag:s15] =	ssyncadd.s32 $0xFFFFC000  }
0x24: {  	[hbm4b:s16+s3] =	stream.linear.scatter [tilespmem:s7], [sflag:$0x2], $0x14000, $0x38;
	[tilespmem:$0x14280] =	vst v63  }
0x25: {  	_ =	swait.ge [sflag:s4], $0x14000  }
0x26: {  	s17 =	sadd.s32 $0xFFFFFFFF, s31;
	[sflag:s4] =	ssyncset.done $0x0  }
.LBB2_1:
0x27: {  	p0 =	sne.s32 s17, $0x1;
	s17 =	sadd.s32 $0xFFFFFFFF, s17;
	[sflag:s4] =	ssyncadd.s32 $0xFFFEC000  }
0x28: {  	[tilespmem:s3], [sflag:$0x2] =	stream.linear.gather [hbm4b:s5+s3], $0x280, $0x38;
	[tilespmem:$0x14280] =	vst v63  }
0x29: {  	_ =	swait.ge [sflag:s4], $0x280  }
0x2a: {  	[sflag:s4] =	ssyncset.done $0x0  }
0x2b: {  	[sflag:s4] =	ssyncadd.s32 $0xFFFFFD80  }
0x2c: {  	[tilespmem:s7], [sflag:$0x1] =	stream.indirect.gather [hbm4b:s1+s6], $0x80, s3, s6, $0xb8;
	[tilespmem:$0x14280] =	vst v63  }
0x2d: {  	_ = 	snop  }
0x2e: {  	[tilespmem:s8], [sflag:$0x1] =	stream.indirect.gather [hbm4b:s1+s6], $0x80, s6, s6, $0xb8;
	[tilespmem:$0x14280] =	vst v63  }
0x2f: {  	_ = 	snop  }
0x30: {  	[tilespmem:s10], [sflag:$0x1] =	stream.indirect.gather [hbm4b:s1+s6], $0x80, s9, s6, $0xb8;
	[tilespmem:$0x14280] =	vst v63  }
0x31: {  	_ = 	snop  }
0x32: {  	[tilespmem:s12], [sflag:$0x1] =	stream.indirect.gather [hbm4b:s1+s6], $0x80, s11, s6, $0xb8;
	[tilespmem:$0x14280] =	vst v63  }
0x33: {  	_ = 	snop  }
0x34: {  	[tilespmem:s14], [sflag:$0x1] =	stream.indirect.gather [hbm4b:s1+s6], $0x80, s13, s6, $0xb8;
	[tilespmem:$0x14280] =	vst v63  }
0x35: {  	_ =	swait.ge [sflag:s15], $0x4000  }
0x36: {  	[sflag:s15] =	ssyncset.done $0x0  }
0x37: {  	[sflag:s15] =	ssyncadd.s32 $0xFFFFC000  }
0x38: {  	_ =	swait.ge [sflag:s15], $0x4000  }
0x39: {  	[sflag:s15] =	ssyncset.done $0x0  }
0x3a: {  	[sflag:s15] =	ssyncadd.s32 $0xFFFFC000  }
0x3b: {  	_ =	swait.ge [sflag:s15], $0x4000  }
0x3c: {  	[sflag:s15] =	ssyncset.done $0x0  }
0x3d: {  	[sflag:s15] =	ssyncadd.s32 $0xFFFFC000  }
0x3e: {  	_ =	swait.ge [sflag:s15], $0x4000  }
0x3f: {  	[sflag:s15] =	ssyncset.done $0x0  }
0x40: {  	[sflag:s15] =	ssyncadd.s32 $0xFFFFC000  }
0x41: {  	_ =	swait.ge [sflag:s15], $0x4000  }
.Ltmp1:
0x42: {  	[sflag:s15] =	ssyncset.done $0x0;
	(pc) =	sbr.rel @p0 .LBB2_1-.Ltmp1, $4  }
0x43: {  	[sflag:s15] =	ssyncadd.s32 $0xFFFFC000  }
0x44: {  	[hbm4b:s16+s3] =	stream.linear.scatter [tilespmem:s7], [sflag:$0x2], $0x14000, $0x38;
	[tilespmem:$0x14280] =	vst v63  }
0x45: {  	_ =	swait.ge [sflag:s4], $0x14000  }
0x46: {  	[sflag:s4] =	ssyncset.done $0x0  }
.LBB2_2:
0x47: {  	[sflag:s4] =	ssyncadd.s32 $0xFFFEC000  }
0x48: {  	_ =	sfence.sel $0x180000  }
0x49: {  	[bflag:$0x0] =	sbarrier.arrive $0xFFFF  }
0x4a: {  	p0 =	sne.s32 s0, $0x0;
	_ =	strace $0x90000047  }
0x4b: {  	s0 =	sadd.s32 @!p0 $0x100000, s2;
	[bflag:$0x2] =	sbarrier.arrive $0xFFFF  }
0x4c: {  	[sflag:s0] =	ssyncadd.tile.s32 @!p0 $0x1;
	_ =	shalt  }
.Lfunc_end2:
_tile_overlayer_lowered:
.L_overlay_start_2:
0x4d: {  	(tag) =	ssettag $0x2  }
0x4e: {  	s0 =	rddreg [dreg:$0x0];
	s2 =	stileid.u32  }
0x4f: {  	s1 =	rddreg [dreg:$0x1];
	p0 =	sne.s32 s2, $0x0  }
0x50: {  	s3 =	rddreg [dreg:$0x2];
	[bflag:$0x3] =	sbarrier.arrive $0xFFFF;
	s2 =	simm.s32 @!p0 $0x1C02  }
0x51: {  	[timem:s3], [sflag:s2] =	dma.local @!p0 [hbm:s0], s1  }
0x52: {  	s0 =	simm.s32 @!p0 $0x2  }
0x53: {  	_ =	swait.ge @!p0 [sflag:s0], s1  }
0x54: {  	s1 =	ssub.s32 @!p0 $0x0, s1;
	[sflag:s0] =	ssyncset.done @!p0 $0x0  }
0x55: {  	[sflag:s0] =	ssyncadd.s32 @!p0 s1  }
0x56: {  	[bflag:$0x3] =	sbarrier.arrive $0xFFFF  }
0x57: {  	_ =	shalt  }

</sc_bundles>
